<compile_context>
chip_gen: v7x
topology: tpu7x:2x2x1
jax: 0.10.2.dev20260603
libtpu: 0.0.44.dev20260713+nightly
codegen_flags: <defaults>
</compile_context>

<pallas_src>
import functools
import math

import jax
import jax.numpy as jnp
from jax import lax
from jax.experimental import pallas as pl
from jax.experimental.pallas import tpu as pltpu
from jax.experimental.pallas import tpu_sc as plsc

N = 10000
E = 320000
D = 128
H = 64
L = 4
R = 3
C = 40
ALPHA = 0.1
THETA = 0.5
EPS = 4e-3
MIN_NORM = 1e-15

G = 16
W = H // G
S = 2
CHUNK = 128
ROWS = E // CHUNK
RPS = ROWS // S
RPS_P = 1280
SUP = 40
NSUP = RPS_P // SUP
NPAD = 10112

BN = N
BT = 400


def _pre_body(x_ref, w0_ref, b0_ref, h_ref, ht_ref):
    h = jnp.dot(x_ref[...], w0_ref[...], preferred_element_type=jnp.float32)
    h = jnp.maximum(h + b0_ref[...], 0.0)
    h_ref[...] = h
    ht_ref[...] = h.T


_pre_call = pl.pallas_call(
    _pre_body,
    grid=(1,),
    in_specs=[
        pl.BlockSpec((BN, D), lambda i: (0, 0)),
        pl.BlockSpec((D, H), lambda i: (0, 0)),
        pl.BlockSpec((1, H), lambda i: (0, 0)),
    ],
    out_specs=[
        pl.BlockSpec((BN, H), lambda i: (0, 0)),
        pl.BlockSpec((H, BN), lambda i: (0, 0)),
    ],
    out_shape=[
        jax.ShapeDtypeStruct((N, H), jnp.float32),
        jax.ShapeDtypeStruct((H, N), jnp.float32),
    ],
)


def _layer_body(parts_ref, h0_ref, wc_ref, beta_ref, h_ref, ht_ref):
    p = parts_ref[:, :, :N]
    agg_t = p[0] + p[1]
    agg = agg_t.T
    beta = beta_ref[0, 0]
    out = (1.0 - ALPHA) * agg + ALPHA * h0_ref[...]
    hn = (1.0 - beta) * out + beta * jnp.dot(
        out, wc_ref[...], preferred_element_type=jnp.float32)
    hn = jnp.maximum(hn, 0.0)
    h_ref[...] = hn
    ht_ref[...] = hn.T


_layer_call = pl.pallas_call(
    _layer_body,
    grid=(1,),
    in_specs=[
        pl.BlockSpec((S, H, NPAD), lambda i: (0, 0, 0)),
        pl.BlockSpec((BN, H), lambda i: (0, 0)),
        pl.BlockSpec((H, H), lambda i: (0, 0)),
        pl.BlockSpec((1, 1), lambda i: (0, 0)),
    ],
    out_specs=[
        pl.BlockSpec((BN, H), lambda i: (0, 0)),
        pl.BlockSpec((H, BN), lambda i: (0, 0)),
    ],
    out_shape=[
        jax.ShapeDtypeStruct((N, H), jnp.float32),
        jax.ShapeDtypeStruct((H, N), jnp.float32),
    ],
)


def _tail_body(h_ref, wu_ref, bu_ref, wv_ref, bv_ref, w1b_ref, expm_ref,
               summ_ref, b1_ref, o_ref):
    h = h_ref[...]
    he = None
    for i in range(R):
        hu = jnp.dot(h, wu_ref[i], preferred_element_type=jnp.float32) + bu_ref[i]
        hv = jnp.dot(h, wv_ref[i], preferred_element_type=jnp.float32) + bv_ref[i]
        gm = jnp.dot(hv, w1b_ref[...], preferred_element_type=jnp.float32)
        em = jnp.dot(hu, expm_ref[...], preferred_element_type=jnp.float32)
        part = jnp.dot(em * gm, summ_ref[...],
                       preferred_element_type=jnp.float32)
        he = part if he is None else he + part
    he = he + b1_ref[...]
    un = jnp.maximum(jnp.sqrt(jnp.sum(he * he, axis=-1, keepdims=True)), MIN_NORM)
    o = jnp.tanh(un) * he / un
    on = jnp.maximum(jnp.sqrt(jnp.sum(o * o, axis=-1, keepdims=True)), MIN_NORM)
    maxn = 1.0 - EPS
    o = jnp.where(on > maxn, o / on * maxn, o)
    m = jnp.max(o, axis=-1, keepdims=True)
    o = o - m
    o_ref[...] = o - jnp.log(jnp.sum(jnp.exp(o), axis=-1, keepdims=True))


_tail_call = pl.pallas_call(
    _tail_body,
    grid=(N // BT,),
    in_specs=[
        pl.BlockSpec((BT, H), lambda i: (i, 0)),
        pl.BlockSpec((R, H, H), lambda i: (0, 0, 0)),
        pl.BlockSpec((R, H), lambda i: (0, 0)),
        pl.BlockSpec((R, H, H), lambda i: (0, 0, 0)),
        pl.BlockSpec((R, H), lambda i: (0, 0)),
        pl.BlockSpec((H, H * C), lambda i: (0, 0)),
        pl.BlockSpec((H, H * C), lambda i: (0, 0)),
        pl.BlockSpec((H * C, C), lambda i: (0, 0)),
        pl.BlockSpec((1, C), lambda i: (0, 0)),
    ],
    out_specs=pl.BlockSpec((BT, C), lambda i: (i, 0)),
    out_shape=jax.ShapeDtypeStruct((N, C), jnp.float32),
)


K16 = CHUNK // 16


def _make_segsum():
    mesh = plsc.VectorSubcoreMesh(core_axis_name="c", subcore_axis_name="s")

    @functools.partial(
        pl.kernel,
        out_type=jax.ShapeDtypeStruct((S, H, NPAD), jnp.float32),
        mesh=mesh,
        compiler_params=pltpu.CompilerParams(
            needs_layout_passes=False, use_tc_tiling_on_sc=False),
        scratch_types=[
            [pltpu.VMEM((SUP, CHUNK), jnp.int32) for _ in range(2)],
            [pltpu.VMEM((SUP, CHUNK), jnp.int32) for _ in range(2)],
            pltpu.VMEM((W, N), jnp.float32),
            pltpu.VMEM((W, NPAD), jnp.float32),
            [pltpu.SemaphoreType.DMA for _ in range(4)],
        ],
    )
    def seg(h3, src2, dst2, out, srcs, dsts, table, acc, sems):
        cid = lax.axis_index("c")
        sid = lax.axis_index("s")
        wid = sid * 2 + cid
        set_id = wid // G
        g = wid % G
        zvec = jnp.zeros((16,), jnp.float32)

        def zbody(i, c0):
            for f in range(W):
                acc[f, pl.ds(16 * i, 16)] = zvec
            return c0

        lax.fori_loop(0, NPAD // 16, zbody, 0)
        pltpu.sync_copy(h3.at[pl.ds(g * W, W)], table)
        row0 = set_id * RPS_P

        def idx_issue(su, p):
            rows = pl.ds(row0 + su * SUP, SUP)
            pltpu.async_copy(src2.at[rows], srcs[p], sems[2 * p])
            pltpu.async_copy(dst2.at[rows], dsts[p], sems[2 * p + 1])

        def idx_wait(su, p):
            rows = pl.ds(row0 + su * SUP, SUP)
            pltpu.make_async_copy(src2.at[rows], srcs[p], sems[2 * p]).wait()
            pltpu.make_async_copy(dst2.at[rows], dsts[p], sems[2 * p + 1]).wait()

        def process_super(p):
            src_sup = srcs[p]
            dst_sup = dsts[p]

            def chunk_body(j, c2):
                for k0 in range(0, K16, 2):
                    batch = []
                    for k in (k0, k0 + 1):
                        sl = pl.ds(16 * k, 16)
                        svec = src_sup[j, sl]
                        dvec = dst_sup[j, sl]
                        for f in range(W):
                            fvec = jnp.full((16,), f, jnp.int32)
                            vals = plsc.load_gather(table, [fvec, svec])
                            batch.append((fvec, dvec, vals))
                    for fvec, dvec, vals in batch:
                        plsc.addupdate_scatter(acc, [fvec, dvec], vals)
                return c2

            lax.fori_loop(0, SUP, chunk_body, 0)

        idx_issue(0, 0)

        def pair_body(su2, carry):
            su = su2 * 2
            idx_wait(su, 0)
            idx_issue(su + 1, 1)
            process_super(0)
            idx_wait(su + 1, 1)

            @pl.when(su + 2 < NSUP)
            def _():
                idx_issue(su + 2, 0)

            process_super(1)
            return carry

        lax.fori_loop(0, NSUP // 2, pair_body, 0)
        pltpu.sync_copy(acc, out.at[set_id, pl.ds(g * W, W)])

    return seg


_segsum_cache = []


def _segsum_call(h3, src2, dst2):
    if not _segsum_cache:
        _segsum_cache.append(_make_segsum())
    return _segsum_cache[0](h3, src2, dst2)


def kernel(x, edge_index, W0, b0, Wconv, Wu, bu, Wv, bv, W1, b1):
    pad = RPS_P - RPS
    src = edge_index[0].reshape(S, RPS, CHUNK)
    src = jnp.pad(src, ((0, 0), (0, pad), (0, 0))).reshape(S * RPS_P, CHUNK)
    dst = edge_index[1].reshape(S, RPS, CHUNK)
    dst = jnp.pad(dst, ((0, 0), (0, pad), (0, 0)),
                  constant_values=N).reshape(S * RPS_P, CHUNK)
    h, ht = _pre_call(x, W0, b0.reshape(1, H))
    h0 = h
    betas = jnp.asarray(
        [[math.log(THETA / (l + 1) + 1.0)] for l in range(L)], jnp.float32)

    def body(l, carry):
        hc, htc = carry
        parts = _segsum_call(htc, src, dst)
        wc = lax.dynamic_index_in_dim(Wconv, l, keepdims=False)
        bl = lax.dynamic_slice(betas, (l, 0), (1, 1))
        return _layer_call(parts, h0, wc, bl)

    h, ht = lax.fori_loop(0, L, body, (h, ht))
    w1b = W1.reshape(H, H, C).transpose(1, 0, 2).reshape(H, H * C)
    expm = jnp.kron(jnp.eye(H, dtype=jnp.float32),
                    jnp.ones((1, C), jnp.float32))
    summ = jnp.kron(jnp.ones((H, 1), jnp.float32),
                    jnp.eye(C, dtype=jnp.float32))
    return _tail_call(h, Wu, bu, Wv, bv, w1b, expm, summ, b1.reshape(1, C))

# --- scband reference (transcript-rebuilt; emitter-appended) ---
"""Pipeline reference for scband-gcn2-hlbp-23055384445772 (READ-ONLY COPY).

The authoritative reference and input builder live on the scoring server;
editing this copy changes nothing except your own understanding.
"""

import jax, jax.numpy as jnp
import numpy as np

N = 10000
E = 320000
D = 128
H = 64
L = 4
R = 3
C = 40
ALPHA = 0.1
THETA = 0.5
CURV = 1.0
EPS = 4e-3
MIN_NORM = 1e-15


def setup_inputs(seed: int = 0):
    key = jax.random.key(seed)
    ks = jax.random.split(key, 8)
    x = jax.random.normal(ks[0], (N, D), dtype=jnp.float32)
    edge_index = jax.random.randint(ks[1], (2, E), 0, N, dtype=jnp.int32)
    W0 = jax.random.normal(ks[2], (D, H), dtype=jnp.float32) / jnp.sqrt(D)
    b0 = jnp.zeros((H,), jnp.float32)
    Wconv = jax.random.normal(ks[3], (L, H, H), dtype=jnp.float32) / jnp.sqrt(H)
    Wu = jax.random.normal(ks[4], (R, H, H), dtype=jnp.float32) / jnp.sqrt(H)
    bu = jnp.zeros((R, H), jnp.float32)
    Wv = jax.random.normal(ks[5], (R, H, H), dtype=jnp.float32) / jnp.sqrt(H)
    bv = jnp.zeros((R, H), jnp.float32)
    W1 = jax.random.normal(ks[6], (H * H, C), dtype=jnp.float32) / jnp.sqrt(H * H)
    b1 = jnp.zeros((C,), jnp.float32)
    return {"x": x, "edge_index": edge_index, "W0": W0, "b0": b0, "Wconv": Wconv,
            "Wu": Wu, "bu": bu, "Wv": Wv, "bv": bv, "W1": W1, "b1": b1}


def _proj(xx, c):
    norm = jnp.maximum(jnp.linalg.norm(xx, axis=-1, keepdims=True), MIN_NORM)
    maxnorm = (1.0 - EPS) / jnp.sqrt(c)
    projected = xx / norm * maxnorm
    return jnp.where(norm > maxnorm, projected, xx)


def _logmap0(p, c):
    sqrt_c = jnp.sqrt(c)
    p_norm = jnp.maximum(jnp.linalg.norm(p, axis=-1, keepdims=True), MIN_NORM)
    arg = jnp.clip(sqrt_c * p_norm, -1.0 + 1e-15, 1.0 - 1e-15)
    return (1.0 / sqrt_c) * jnp.arctanh(arg) / p_norm * p


def _expmap0(u, c):
    sqrt_c = jnp.sqrt(c)
    u_norm = jnp.maximum(jnp.linalg.norm(u, axis=-1, keepdims=True), MIN_NORM)
    return jnp.tanh(sqrt_c * u_norm) * u / (sqrt_c * u_norm)


def reference(x, edge_index, W0, b0, Wconv, Wu, bu, Wv, bv, W1, b1):
    src = edge_index[0]
    dst = edge_index[1]
    # lins[0] + relu
    h0 = jax.nn.relu(x @ W0 + b0)
    h = h0
    # GCN2Conv layers (normalize=False, shared_weights=True)
    for l in range(L):
        beta = float(np.log(THETA / (l + 1) + 1.0))
        agg = jax.ops.segment_sum(h[src], dst, num_segments=N)  # adj_t @ h (unnormalized)
        out = (1.0 - ALPHA) * agg + ALPHA * h0
        h = jax.nn.relu((1.0 - beta) * out + beta * (out @ Wconv[l]))
    # hyperbolic ops (h_euc from logmap0 is dead code in the original, kept for fidelity)
    h_hyp = _proj(h, CURV)
    _h_euc_unused = _logmap0(h_hyp, CURV)
    # bilinear pooling: sum_i outer(u_i(h), v_i(h))
    hb = jnp.zeros((h.shape[0], H, H), jnp.float32)
    for i in range(R):
        hu = h @ Wu[i] + bu[i]
        hv = h @ Wv[i] + bv[i]
        hb = hb + hu[:, :, None] * hv[:, None, :]
    h_flat = hb.reshape(h.shape[0], H * H)
    h_euc = h_flat @ W1 + b1
    # proj_tan0 is identity for PoincareBall
    h_out = _proj(_expmap0(h_euc, CURV), CURV)
    return jax.nn.log_softmax(h_out, axis=-1)

if __name__ == "__main__":
    import jax
    _d = setup_inputs()
    print(jax.jit(kernel)(*tuple(_d.values())))

</pallas_src>

<mosaic_0001>
#map = affine_map<(d0, d1) -> (0, 0)>
#map1 = affine_map<(d0, d1) -> (0, 0, 0)>
module attributes {stable_mosaic.version = 14 : i64} {
  func.func @seg(%arg0: i32, %arg1: i32, %arg2: memref<64x10000xf32, #tpu.memory_space<hbm>>, %arg3: memref<2560x128xi32, #tpu.memory_space<hbm>>, %arg4: memref<2560x128xi32, #tpu.memory_space<hbm>>, %arg5: memref<2x64x10112xf32, #tpu.memory_space<hbm>>, %arg6: memref<40x128xi32, #tpu.memory_space<vmem>>, %arg7: memref<40x128xi32, #tpu.memory_space<vmem>>, %arg8: memref<40x128xi32, #tpu.memory_space<vmem>>, %arg9: memref<40x128xi32, #tpu.memory_space<vmem>>, %arg10: memref<4x10000xf32, #tpu.memory_space<vmem>>, %arg11: memref<4x10112xf32, #tpu.memory_space<vmem>>, %arg12: memref<!tpu.dma_semaphore, #tpu.memory_space<semaphore_mem>>, %arg13: memref<!tpu.dma_semaphore, #tpu.memory_space<semaphore_mem>>, %arg14: memref<!tpu.dma_semaphore, #tpu.memory_space<semaphore_mem>>, %arg15: memref<!tpu.dma_semaphore, #tpu.memory_space<semaphore_mem>>) attributes {dimension_semantics = [#tpu.dimension_semantics<core_parallel>, #tpu.dimension_semantics<subcore_parallel>], iteration_bounds = array<i64: 2, 16>, scalar_prefetch = 0 : i64, scratch_operands = 10 : i64, tpu.core_type = #tpu.core_type<sc_vector_subcore>, window_params = [{transform_indices = #map}, {transform_indices = #map}, {transform_indices = #map}, {transform_indices = #map1}]} {
    %mul3A = arith.constant 2 : i32
    %mul3A_0 = arith.muli %arg1, %mul3A : i32
    %add3A = arith.addi %mul3A_0, %arg0 : i32
    %jit3A = arith.constant 16 : i32
    %div3A = arith.divsi %add3A, %jit3A : i32
    %sign3A = arith.constant 0 : i32
    %sign3A_1 = arith.cmpi sgt, %add3A, %sign3A : i32
    %sign3A_2 = arith.extui %sign3A_1 : i1 to i32
    %sign3A_3 = arith.constant 0 : i32
    %sign3A_4 = arith.cmpi slt, %add3A, %sign3A_3 : i32
    %sign3A_5 = arith.extui %sign3A_4 : i1 to i32
    %sign3A_6 = arith.subi %sign3A_2, %sign3A_5 : i32
    %sign3A_7 = arith.constant 0 : i32
    %sign3A_8 = arith.cmpi sgt, %jit3A, %sign3A_7 : i32
    %sign3A_9 = arith.extui %sign3A_8 : i1 to i32
    %sign3A_10 = arith.constant 0 : i32
    %sign3A_11 = arith.cmpi slt, %jit3A, %sign3A_10 : i32
    %sign3A_12 = arith.extui %sign3A_11 : i1 to i32
    %sign3A_13 = arith.subi %sign3A_9, %sign3A_12 : i32
    %ne3A = arith.cmpi ne, %sign3A_6, %sign3A_13 : i32
    %rem3A = arith.remsi %add3A, %jit3A : i32
    %ne3A_14 = arith.constant 0 : i32
    %ne3A_15 = arith.cmpi ne, %rem3A, %ne3A_14 : i32
    %and3A = arith.andi %ne3A, %ne3A_15 : i1
    %sub3A = arith.constant 1 : i32
    %sub3A_16 = arith.subi %div3A, %sub3A : i32
    %select_n3A = arith.select %and3A, %sub3A_16, %div3A : i32
    %jit3A_17 = arith.constant 16 : i32
    %eq3A = arith.constant 0 : i32
    %eq3A_18 = arith.cmpi eq, %jit3A_17, %eq3A : i32
    %jit3A_19 = arith.constant 1 : i32
    %select_n3A_20 = arith.select %eq3A_18, %jit3A_19, %jit3A_17 : i32
    %rem3A_21 = arith.remsi %add3A, %select_n3A_20 : i32
    %ne3A_22 = arith.constant 0 : i32
    %ne3A_23 = arith.cmpi ne, %rem3A_21, %ne3A_22 : i32
    %lt3A = arith.constant 0 : i32
    %lt3A_24 = arith.cmpi slt, %rem3A_21, %lt3A : i32
    %lt3A_25 = arith.constant 0 : i32
    %lt3A_26 = arith.cmpi slt, %select_n3A_20, %lt3A_25 : i32
    %ne3A_27 = arith.xori %lt3A_24, %lt3A_26 : i1
    %and3A_28 = arith.andi %ne3A_27, %ne3A_23 : i1
    %add3A_29 = arith.addi %rem3A_21, %select_n3A_20 : i32
    %select_n3A_30 = arith.select %and3A_28, %add3A_29, %rem3A_21 : i32
    %broadcast_in_dim3A = arith.constant 0.000000e+00 : f32
    %broadcast_in_dim3A_31 = vector.broadcast %broadcast_in_dim3A : f32 to vector<16xf32>
    %scan3A = arith.constant 0 : i32
    %scan3A_32 = arith.constant 0 : i32
    %scan3A_33 = arith.constant 632 : i32
    %scan3A_34 = arith.addi %scan3A_32, %scan3A_33 : i32
    %scan3A_35 = arith.constant 1 : i32
    scf.for %scan3A_58 = %scan3A_32 to %scan3A_34 step %scan3A_35  : i32 {
      %mul3A_59 = arith.constant 16 : i32
      %mul3A_60 = arith.muli %mul3A_59, %scan3A_58 : i32
      %swap3A = arith.constant 0 : i32
      %swap3A_61 = arith.index_cast %swap3A : i32 to index
      %swap3A_62 = arith.index_cast %mul3A_60 : i32 to index
      %swap3A_63 = tpu.vector_load %arg11[%swap3A_61, %swap3A_62] {strides = array<i32>} : memref<4x10112xf32, #tpu.memory_space<vmem>>, vector<16xf32>,
      tpu.vector_store %arg11[%swap3A_61, %swap3A_62], %broadcast_in_dim3A_31 {strides = array<i32>} : memref<4x10112xf32, #tpu.memory_space<vmem>>, vector<16xf32>,
      %mul3A_64 = arith.constant 16 : i32
      %mul3A_65 = arith.muli %mul3A_64, %scan3A_58 : i32
      %swap3A_66 = arith.constant 1 : i32
      %swap3A_67 = arith.index_cast %swap3A_66 : i32 to index
      %swap3A_68 = arith.index_cast %mul3A_65 : i32 to index
      %swap3A_69 = tpu.vector_load %arg11[%swap3A_67, %swap3A_68] {strides = array<i32>} : memref<4x10112xf32, #tpu.memory_space<vmem>>, vector<16xf32>,
      tpu.vector_store %arg11[%swap3A_67, %swap3A_68], %broadcast_in_dim3A_31 {strides = array<i32>} : memref<4x10112xf32, #tpu.memory_space<vmem>>, vector<16xf32>,
      %mul3A_70 = arith.constant 16 : i32
      %mul3A_71 = arith.muli %mul3A_70, %scan3A_58 : i32
      %swap3A_72 = arith.constant 2 : i32
      %swap3A_73 = arith.index_cast %swap3A_72 : i32 to index
      %swap3A_74 = arith.index_cast %mul3A_71 : i32 to index
      %swap3A_75 = tpu.vector_load %arg11[%swap3A_73, %swap3A_74] {strides = array<i32>} : memref<4x10112xf32, #tpu.memory_space<vmem>>, vector<16xf32>,
      tpu.vector_store %arg11[%swap3A_73, %swap3A_74], %broadcast_in_dim3A_31 {strides = array<i32>} : memref<4x10112xf32, #tpu.memory_space<vmem>>, vector<16xf32>,
      %mul3A_76 = arith.constant 16 : i32
      %mul3A_77 = arith.muli %mul3A_76, %scan3A_58 : i32
      %swap3A_78 = arith.constant 3 : i32
      %swap3A_79 = arith.index_cast %swap3A_78 : i32 to index
      %swap3A_80 = arith.index_cast %mul3A_77 : i32 to index
      %swap3A_81 = tpu.vector_load %arg11[%swap3A_79, %swap3A_80] {strides = array<i32>} : memref<4x10112xf32, #tpu.memory_space<vmem>>, vector<16xf32>,
      tpu.vector_store %arg11[%swap3A_79, %swap3A_80], %broadcast_in_dim3A_31 {strides = array<i32>} : memref<4x10112xf32, #tpu.memory_space<vmem>>, vector<16xf32>,
    }
    %scan3A_36 = arith.constant 632 : i32
    %mul3A_37 = arith.constant 4 : i32
    %mul3A_38 = arith.muli %select_n3A_30, %mul3A_37 : i32
    "tpu.region"() ({
      %run_scoped3A = tpu.sem_alloc : memref<!tpu.dma_semaphore, #tpu.memory_space<semaphore_mem>>
      %dma_start3A_58 = arith.constant 0 : i32
      %dma_start3A_59 = tpu.memref_slice %arg2[%mul3A_38, %dma_start3A_58] : memref<64x10000xf32, #tpu.memory_space<hbm>> -> memref<4x10000xf32, #tpu.memory_space<hbm>>
      %dma_start3A_60 = arith.constant 0 : i32
      %dma_start3A_61 = tpu.memref_slice %arg2[%mul3A_38, %dma_start3A_60] : memref<64x10000xf32, #tpu.memory_space<hbm>> -> memref<4x10000xf32, #tpu.memory_space<hbm>>
      tpu.enqueue_dma source(%dma_start3A_61 : memref<4x10000xf32, #tpu.memory_space<hbm>>) target(%arg10 : memref<4x10000xf32, #tpu.memory_space<vmem>>) target_semaphore(%run_scoped3A : memref<!tpu.dma_semaphore, #tpu.memory_space<semaphore_mem>>)
      %dma_wait3A = arith.constant 0 : i32
      %dma_wait3A_62 = tpu.memref_slice %arg2[%mul3A_38, %dma_wait3A] : memref<64x10000xf32, #tpu.memory_space<hbm>> -> memref<4x10000xf32, #tpu.memory_space<hbm>>
      %dma_wait3A_63 = arith.constant 0 : i32
      %dma_wait3A_64 = tpu.memref_slice %arg2[%mul3A_38, %dma_wait3A_63] : memref<64x10000xf32, #tpu.memory_space<hbm>> -> memref<4x10000xf32, #tpu.memory_space<hbm>>
      tpu.wait_dma2 semaphore(%run_scoped3A : memref<!tpu.dma_semaphore, #tpu.memory_space<semaphore_mem>>) src(%dma_wait3A_64 : memref<4x10000xf32, #tpu.memory_space<hbm>>) dst(%arg10 : memref<4x10000xf32, #tpu.memory_space<vmem>>)
      tpu.yield
    }) : () -> ()
    %mul3A_39 = arith.constant 1280 : i32
    %mul3A_40 = arith.muli %select_n3A, %mul3A_39 : i32
    %add3A_41 = arith.constant 0 : i32
    %add3A_42 = arith.addi %mul3A_40, %add3A_41 : i32
    %dma_start3A = arith.constant 0 : i32
    %dma_start3A_43 = tpu.memref_slice %arg3[%add3A_42, %dma_start3A] : memref<2560x128xi32, #tpu.memory_space<hbm>> -> memref<40x128xi32, #tpu.memory_space<hbm>>
    %dma_start3A_44 = arith.constant 0 : i32
    %dma_start3A_45 = tpu.memref_slice %arg3[%add3A_42, %dma_start3A_44] : memref<2560x128xi32, #tpu.memory_space<hbm>> -> memref<40x128xi32, #tpu.memory_space<hbm>>
    tpu.enqueue_dma source(%dma_start3A_45 : memref<40x128xi32, #tpu.memory_space<hbm>>) target(%arg6 : memref<40x128xi32, #tpu.memory_space<vmem>>) target_semaphore(%arg12 : memref<!tpu.dma_semaphore, #tpu.memory_space<semaphore_mem>>)
    %dma_start3A_46 = arith.constant 0 : i32
    %dma_start3A_47 = tpu.memref_slice %arg4[%add3A_42, %dma_start3A_46] : memref<2560x128xi32, #tpu.memory_space<hbm>> -> memref<40x128xi32, #tpu.memory_space<hbm>>
    %dma_start3A_48 = arith.constant 0 : i32
    %dma_start3A_49 = tpu.memref_slice %arg4[%add3A_42, %dma_start3A_48] : memref<2560x128xi32, #tpu.memory_space<hbm>> -> memref<40x128xi32, #tpu.memory_space<hbm>>
    tpu.enqueue_dma source(%dma_start3A_49 : memref<40x128xi32, #tpu.memory_space<hbm>>) target(%arg8 : memref<40x128xi32, #tpu.memory_space<vmem>>) target_semaphore(%arg13 : memref<!tpu.dma_semaphore, #tpu.memory_space<semaphore_mem>>)
    %scan3A_50 = arith.constant 0 : i32
    %scan3A_51 = arith.constant 0 : i32
    %scan3A_52 = arith.constant 16 : i32
    %scan3A_53 = arith.addi %scan3A_51, %scan3A_52 : i32
    %scan3A_54 = arith.constant 1 : i32
    scf.for %scan3A_58 = %scan3A_51 to %scan3A_53 step %scan3A_54  : i32 {
      %mul3A_59 = arith.constant 2 : i32
      %mul3A_60 = arith.muli %scan3A_58, %mul3A_59 : i32
      %mul3A_61 = arith.constant 40 : i32
      %mul3A_62 = arith.muli %mul3A_60, %mul3A_61 : i32
      %add3A_63 = arith.addi %mul3A_40, %mul3A_62 : i32
      %dma_wait3A = arith.constant 0 : i32
      %dma_wait3A_64 = tpu.memref_slice %arg3[%add3A_63, %dma_wait3A] : memref<2560x128xi32, #tpu.memory_space<hbm>> -> memref<40x128xi32, #tpu.memory_space<hbm>>
      %dma_wait3A_65 = arith.constant 0 : i32
      %dma_wait3A_66 = tpu.memref_slice %arg3[%add3A_63, %dma_wait3A_65] : memref<2560x128xi32, #tpu.memory_space<hbm>> -> memref<40x128xi32, #tpu.memory_space<hbm>>
      tpu.wait_dma2 semaphore(%arg12 : memref<!tpu.dma_semaphore, #tpu.memory_space<semaphore_mem>>) src(%dma_wait3A_66 : memref<40x128xi32, #tpu.memory_space<hbm>>) dst(%arg6 : memref<40x128xi32, #tpu.memory_space<vmem>>)
      %dma_wait3A_67 = arith.constant 0 : i32
      %dma_wait3A_68 = tpu.memref_slice %arg4[%add3A_63, %dma_wait3A_67] : memref<2560x128xi32, #tpu.memory_space<hbm>> -> memref<40x128xi32, #tpu.memory_space<hbm>>
      %dma_wait3A_69 = arith.constant 0 : i32
      %dma_wait3A_70 = tpu.memref_slice %arg4[%add3A_63, %dma_wait3A_69] : memref<2560x128xi32, #tpu.memory_space<hbm>> -> memref<40x128xi32, #tpu.memory_space<hbm>>
      tpu.wait_dma2 semaphore(%arg13 : memref<!tpu.dma_semaphore, #tpu.memory_space<semaphore_mem>>) src(%dma_wait3A_70 : memref<40x128xi32, #tpu.memory_space<hbm>>) dst(%arg8 : memref<40x128xi32, #tpu.memory_space<vmem>>)
      %add3A_71 = arith.constant 1 : i32
      %add3A_72 = arith.addi %mul3A_60, %add3A_71 : i32
      %mul3A_73 = arith.constant 40 : i32
      %mul3A_74 = arith.muli %add3A_72, %mul3A_73 : i32
      %add3A_75 = arith.addi %mul3A_40, %mul3A_74 : i32
      %dma_start3A_76 = arith.constant 0 : i32
      %dma_start3A_77 = tpu.memref_slice %arg3[%add3A_75, %dma_start3A_76] : memref<2560x128xi32, #tpu.memory_space<hbm>> -> memref<40x128xi32, #tpu.memory_space<hbm>>
      %dma_start3A_78 = arith.constant 0 : i32
      %dma_start3A_79 = tpu.memref_slice %arg3[%add3A_75, %dma_start3A_78] : memref<2560x128xi32, #tpu.memory_space<hbm>> -> memref<40x128xi32, #tpu.memory_space<hbm>>
      tpu.enqueue_dma source(%dma_start3A_79 : memref<40x128xi32, #tpu.memory_space<hbm>>) target(%arg7 : memref<40x128xi32, #tpu.memory_space<vmem>>) target_semaphore(%arg14 : memref<!tpu.dma_semaphore, #tpu.memory_space<semaphore_mem>>)
      %dma_start3A_80 = arith.constant 0 : i32
      %dma_start3A_81 = tpu.memref_slice %arg4[%add3A_75, %dma_start3A_80] : memref<2560x128xi32, #tpu.memory_space<hbm>> -> memref<40x128xi32, #tpu.memory_space<hbm>>
      %dma_start3A_82 = arith.constant 0 : i32
      %dma_start3A_83 = tpu.memref_slice %arg4[%add3A_75, %dma_start3A_82] : memref<2560x128xi32, #tpu.memory_space<hbm>> -> memref<40x128xi32, #tpu.memory_space<hbm>>
      tpu.enqueue_dma source(%dma_start3A_83 : memref<40x128xi32, #tpu.memory_space<hbm>>) target(%arg9 : memref<40x128xi32, #tpu.memory_space<vmem>>) target_semaphore(%arg15 : memref<!tpu.dma_semaphore, #tpu.memory_space<semaphore_mem>>)
      %scan3A_84 = arith.constant 0 : i32
      %scan3A_85 = arith.constant 0 : i32
      %scan3A_86 = arith.constant 40 : i32
      %scan3A_87 = arith.addi %scan3A_85, %scan3A_86 : i32
      %scan3A_88 = arith.constant 1 : i32
      scf.for %scan3A_114 = %scan3A_85 to %scan3A_87 step %scan3A_88  : i32 {
        %get3A = arith.index_cast %scan3A_114 : i32 to index
        %get3A_115 = arith.constant 0 : index
        %get3A_116 = tpu.vector_load %arg6[%get3A, %get3A_115] {strides = array<i32>} : memref<40x128xi32, #tpu.memory_space<vmem>>, vector<16xi32>,
        %get3A_117 = arith.index_cast %scan3A_114 : i32 to index
        %get3A_118 = arith.constant 0 : index
        %get3A_119 = tpu.vector_load %arg8[%get3A_117, %get3A_118] {strides = array<i32>} : memref<40x128xi32, #tpu.memory_space<vmem>>, vector<16xi32>,
        %broadcast_in_dim3A_120 = arith.constant 0 : i32
        %broadcast_in_dim3A_121 = vector.broadcast %broadcast_in_dim3A_120 : i32 to vector<16xi32>
        %gather3A = tpu.vector_load_idx %arg10[%broadcast_in_dim3A_121, %get3A_116] : memref<4x10000xf32, #tpu.memory_space<vmem>>[vector<16xi32>, vector<16xi32>], vector<16xf32>,
        %broadcast_in_dim3A_122 = arith.constant 1 : i32
        %broadcast_in_dim3A_123 = vector.broadcast %broadcast_in_dim3A_122 : i32 to vector<16xi32>
        %gather3A_124 = tpu.vector_load_idx %arg10[%broadcast_in_dim3A_123, %get3A_116] : memref<4x10000xf32, #tpu.memory_space<vmem>>[vector<16xi32>, vector<16xi32>], vector<16xf32>,
        %broadcast_in_dim3A_125 = arith.constant 2 : i32
        %broadcast_in_dim3A_126 = vector.broadcast %broadcast_in_dim3A_125 : i32 to vector<16xi32>
        %gather3A_127 = tpu.vector_load_idx %arg10[%broadcast_in_dim3A_126, %get3A_116] : memref<4x10000xf32, #tpu.memory_space<vmem>>[vector<16xi32>, vector<16xi32>], vector<16xf32>,
        %broadcast_in_dim3A_128 = arith.constant 3 : i32
        %broadcast_in_dim3A_129 = vector.broadcast %broadcast_in_dim3A_128 : i32 to vector<16xi32>
        %gather3A_130 = tpu.vector_load_idx %arg10[%broadcast_in_dim3A_129, %get3A_116] : memref<4x10000xf32, #tpu.memory_space<vmem>>[vector<16xi32>, vector<16xi32>], vector<16xf32>,
        %get3A_131 = arith.index_cast %scan3A_114 : i32 to index
        %get3A_132 = arith.constant 16 : index
        %get3A_133 = tpu.vector_load %arg6[%get3A_131, %get3A_132] {strides = array<i32>} : memref<40x128xi32, #tpu.memory_space<vmem>>, vector<16xi32>,
        %get3A_134 = arith.index_cast %scan3A_114 : i32 to index
        %get3A_135 = arith.constant 16 : index
        %get3A_136 = tpu.vector_load %arg8[%get3A_134, %get3A_135] {strides = array<i32>} : memref<40x128xi32, #tpu.memory_space<vmem>>, vector<16xi32>,
        %broadcast_in_dim3A_137 = arith.constant 0 : i32
        %broadcast_in_dim3A_138 = vector.broadcast %broadcast_in_dim3A_137 : i32 to vector<16xi32>
        %gather3A_139 = tpu.vector_load_idx %arg10[%broadcast_in_dim3A_138, %get3A_133] : memref<4x10000xf32, #tpu.memory_space<vmem>>[vector<16xi32>, vector<16xi32>], vector<16xf32>,
        %broadcast_in_dim3A_140 = arith.constant 1 : i32
        %broadcast_in_dim3A_141 = vector.broadcast %broadcast_in_dim3A_140 : i32 to vector<16xi32>
        %gather3A_142 = tpu.vector_load_idx %arg10[%broadcast_in_dim3A_141, %get3A_133] : memref<4x10000xf32, #tpu.memory_space<vmem>>[vector<16xi32>, vector<16xi32>], vector<16xf32>,
        %broadcast_in_dim3A_143 = arith.constant 2 : i32
        %broadcast_in_dim3A_144 = vector.broadcast %broadcast_in_dim3A_143 : i32 to vector<16xi32>
        %gather3A_145 = tpu.vector_load_idx %arg10[%broadcast_in_dim3A_144, %get3A_133] : memref<4x10000xf32, #tpu.memory_space<vmem>>[vector<16xi32>, vector<16xi32>], vector<16xf32>,
        %broadcast_in_dim3A_146 = arith.constant 3 : i32
        %broadcast_in_dim3A_147 = vector.broadcast %broadcast_in_dim3A_146 : i32 to vector<16xi32>
        %gather3A_148 = tpu.vector_load_idx %arg10[%broadcast_in_dim3A_147, %get3A_133] : memref<4x10000xf32, #tpu.memory_space<vmem>>[vector<16xi32>, vector<16xi32>], vector<16xf32>,
        tpu.vector_store_idx %arg11[%broadcast_in_dim3A_121, %get3A_119], %gather3A {add = true} : memref<4x10112xf32, #tpu.memory_space<vmem>>[vector<16xi32>, vector<16xi32>], vector<16xf32>,
        tpu.vector_store_idx %arg11[%broadcast_in_dim3A_123, %get3A_119], %gather3A_124 {add = true} : memref<4x10112xf32, #tpu.memory_space<vmem>>[vector<16xi32>, vector<16xi32>], vector<16xf32>,
        tpu.vector_store_idx %arg11[%broadcast_in_dim3A_126, %get3A_119], %gather3A_127 {add = true} : memref<4x10112xf32, #tpu.memory_space<vmem>>[vector<16xi32>, vector<16xi32>], vector<16xf32>,
        tpu.vector_store_idx %arg11[%broadcast_in_dim3A_129, %get3A_119], %gather3A_130 {add = true} : memref<4x10112xf32, #tpu.memory_space<vmem>>[vector<16xi32>, vector<16xi32>], vector<16xf32>,
        tpu.vector_store_idx %arg11[%broadcast_in_dim3A_138, %get3A_136], %gather3A_139 {add = true} : memref<4x10112xf32, #tpu.memory_space<vmem>>[vector<16xi32>, vector<16xi32>], vector<16xf32>,
        tpu.vector_store_idx %arg11[%broadcast_in_dim3A_141, %get3A_136], %gather3A_142 {add = true} : memref<4x10112xf32, #tpu.memory_space<vmem>>[vector<16xi32>, vector<16xi32>], vector<16xf32>,
        tpu.vector_store_idx %arg11[%broadcast_in_dim3A_144, %get3A_136], %gather3A_145 {add = true} : memref<4x10112xf32, #tpu.memory_space<vmem>>[vector<16xi32>, vector<16xi32>], vector<16xf32>,
        tpu.vector_store_idx %arg11[%broadcast_in_dim3A_147, %get3A_136], %gather3A_148 {add = true} : memref<4x10112xf32, #tpu.memory_space<vmem>>[vector<16xi32>, vector<16xi32>], vector<16xf32>,
        %get3A_149 = arith.index_cast %scan3A_114 : i32 to index
        %get3A_150 = arith.constant 32 : index
        %get3A_151 = tpu.vector_load %arg6[%get3A_149, %get3A_150] {strides = array<i32>} : memref<40x128xi32, #tpu.memory_space<vmem>>, vector<16xi32>,
        %get3A_152 = arith.index_cast %scan3A_114 : i32 to index
        %get3A_153 = arith.constant 32 : index
        %get3A_154 = tpu.vector_load %arg8[%get3A_152, %get3A_153] {strides = array<i32>} : memref<40x128xi32, #tpu.memory_space<vmem>>, vector<16xi32>,
        %broadcast_in_dim3A_155 = arith.constant 0 : i32
        %broadcast_in_dim3A_156 = vector.broadcast %broadcast_in_dim3A_155 : i32 to vector<16xi32>
        %gather3A_157 = tpu.vector_load_idx %arg10[%broadcast_in_dim3A_156, %get3A_151] : memref<4x10000xf32, #tpu.memory_space<vmem>>[vector<16xi32>, vector<16xi32>], vector<16xf32>,
        %broadcast_in_dim3A_158 = arith.constant 1 : i32
        %broadcast_in_dim3A_159 = vector.broadcast %broadcast_in_dim3A_158 : i32 to vector<16xi32>
        %gather3A_160 = tpu.vector_load_idx %arg10[%broadcast_in_dim3A_159, %get3A_151] : memref<4x10000xf32, #tpu.memory_space<vmem>>[vector<16xi32>, vector<16xi32>], vector<16xf32>,
        %broadcast_in_dim3A_161 = arith.constant 2 : i32
        %broadcast_in_dim3A_162 = vector.broadcast %broadcast_in_dim3A_161 : i32 to vector<16xi32>
        %gather3A_163 = tpu.vector_load_idx %arg10[%broadcast_in_dim3A_162, %get3A_151] : memref<4x10000xf32, #tpu.memory_space<vmem>>[vector<16xi32>, vector<16xi32>], vector<16xf32>,
        %broadcast_in_dim3A_164 = arith.constant 3 : i32
        %broadcast_in_dim3A_165 = vector.broadcast %broadcast_in_dim3A_164 : i32 to vector<16xi32>
        %gather3A_166 = tpu.vector_load_idx %arg10[%broadcast_in_dim3A_165, %get3A_151] : memref<4x10000xf32, #tpu.memory_space<vmem>>[vector<16xi32>, vector<16xi32>], vector<16xf32>,
        %get3A_167 = arith.index_cast %scan3A_114 : i32 to index
        %get3A_168 = arith.constant 48 : index
        %get3A_169 = tpu.vector_load %arg6[%get3A_167, %get3A_168] {strides = array<i32>} : memref<40x128xi32, #tpu.memory_space<vmem>>, vector<16xi32>,
        %get3A_170 = arith.index_cast %scan3A_114 : i32 to index
        %get3A_171 = arith.constant 48 : index
        %get3A_172 = tpu.vector_load %arg8[%get3A_170, %get3A_171] {strides = array<i32>} : memref<40x128xi32, #tpu.memory_space<vmem>>, vector<16xi32>,
        %broadcast_in_dim3A_173 = arith.constant 0 : i32
        %broadcast_in_dim3A_174 = vector.broadcast %broadcast_in_dim3A_173 : i32 to vector<16xi32>
        %gather3A_175 = tpu.vector_load_idx %arg10[%broadcast_in_dim3A_174, %get3A_169] : memref<4x10000xf32, #tpu.memory_space<vmem>>[vector<16xi32>, vector<16xi32>], vector<16xf32>,
        %broadcast_in_dim3A_176 = arith.constant 1 : i32
        %broadcast_in_dim3A_177 = vector.broadcast %broadcast_in_dim3A_176 : i32 to vector<16xi32>
        %gather3A_178 = tpu.vector_load_idx %arg10[%broadcast_in_dim3A_177, %get3A_169] : memref<4x10000xf32, #tpu.memory_space<vmem>>[vector<16xi32>, vector<16xi32>], vector<16xf32>,
        %broadcast_in_dim3A_179 = arith.constant 2 : i32
        %broadcast_in_dim3A_180 = vector.broadcast %broadcast_in_dim3A_179 : i32 to vector<16xi32>
        %gather3A_181 = tpu.vector_load_idx %arg10[%broadcast_in_dim3A_180, %get3A_169] : memref<4x10000xf32, #tpu.memory_space<vmem>>[vector<16xi32>, vector<16xi32>], vector<16xf32>,
        %broadcast_in_dim3A_182 = arith.constant 3 : i32
        %broadcast_in_dim3A_183 = vector.broadcast %broadcast_in_dim3A_182 : i32 to vector<16xi32>
        %gather3A_184 = tpu.vector_load_idx %arg10[%broadcast_in_dim3A_183, %get3A_169] : memref<4x10000xf32, #tpu.memory_space<vmem>>[vector<16xi32>, vector<16xi32>], vector<16xf32>,
        tpu.vector_store_idx %arg11[%broadcast_in_dim3A_156, %get3A_154], %gather3A_157 {add = true} : memref<4x10112xf32, #tpu.memory_space<vmem>>[vector<16xi32>, vector<16xi32>], vector<16xf32>,
        tpu.vector_store_idx %arg11[%broadcast_in_dim3A_159, %get3A_154], %gather3A_160 {add = true} : memref<4x10112xf32, #tpu.memory_space<vmem>>[vector<16xi32>, vector<16xi32>], vector<16xf32>,
        tpu.vector_store_idx %arg11[%broadcast_in_dim3A_162, %get3A_154], %gather3A_163 {add = true} : memref<4x10112xf32, #tpu.memory_space<vmem>>[vector<16xi32>, vector<16xi32>], vector<16xf32>,
        tpu.vector_store_idx %arg11[%broadcast_in_dim3A_165, %get3A_154], %gather3A_166 {add = true} : memref<4x10112xf32, #tpu.memory_space<vmem>>[vector<16xi32>, vector<16xi32>], vector<16xf32>,
        tpu.vector_store_idx %arg11[%broadcast_in_dim3A_174, %get3A_172], %gather3A_175 {add = true} : memref<4x10112xf32, #tpu.memory_space<vmem>>[vector<16xi32>, vector<16xi32>], vector<16xf32>,
        tpu.vector_store_idx %arg11[%broadcast_in_dim3A_177, %get3A_172], %gather3A_178 {add = true} : memref<4x10112xf32, #tpu.memory_space<vmem>>[vector<16xi32>, vector<16xi32>], vector<16xf32>,
        tpu.vector_store_idx %arg11[%broadcast_in_dim3A_180, %get3A_172], %gather3A_181 {add = true} : memref<4x10112xf32, #tpu.memory_space<vmem>>[vector<16xi32>, vector<16xi32>], vector<16xf32>,
        tpu.vector_store_idx %arg11[%broadcast_in_dim3A_183, %get3A_172], %gather3A_184 {add = true} : memref<4x10112xf32, #tpu.memory_space<vmem>>[vector<16xi32>, vector<16xi32>], vector<16xf32>,
        %get3A_185 = arith.index_cast %scan3A_114 : i32 to index
        %get3A_186 = arith.constant 64 : index
        %get3A_187 = tpu.vector_load %arg6[%get3A_185, %get3A_186] {strides = array<i32>} : memref<40x128xi32, #tpu.memory_space<vmem>>, vector<16xi32>,
        %get3A_188 = arith.index_cast %scan3A_114 : i32 to index
        %get3A_189 = arith.constant 64 : index
        %get3A_190 = tpu.vector_load %arg8[%get3A_188, %get3A_189] {strides = array<i32>} : memref<40x128xi32, #tpu.memory_space<vmem>>, vector<16xi32>,
        %broadcast_in_dim3A_191 = arith.constant 0 : i32
        %broadcast_in_dim3A_192 = vector.broadcast %broadcast_in_dim3A_191 : i32 to vector<16xi32>
        %gather3A_193 = tpu.vector_load_idx %arg10[%broadcast_in_dim3A_192, %get3A_187] : memref<4x10000xf32, #tpu.memory_space<vmem>>[vector<16xi32>, vector<16xi32>], vector<16xf32>,
        %broadcast_in_dim3A_194 = arith.constant 1 : i32
        %broadcast_in_dim3A_195 = vector.broadcast %broadcast_in_dim3A_194 : i32 to vector<16xi32>
        %gather3A_196 = tpu.vector_load_idx %arg10[%broadcast_in_dim3A_195, %get3A_187] : memref<4x10000xf32, #tpu.memory_space<vmem>>[vector<16xi32>, vector<16xi32>], vector<16xf32>,
        %broadcast_in_dim3A_197 = arith.constant 2 : i32
        %broadcast_in_dim3A_198 = vector.broadcast %broadcast_in_dim3A_197 : i32 to vector<16xi32>
        %gather3A_199 = tpu.vector_load_idx %arg10[%broadcast_in_dim3A_198, %get3A_187] : memref<4x10000xf32, #tpu.memory_space<vmem>>[vector<16xi32>, vector<16xi32>], vector<16xf32>,
        %broadcast_in_dim3A_200 = arith.constant 3 : i32
        %broadcast_in_dim3A_201 = vector.broadcast %broadcast_in_dim3A_200 : i32 to vector<16xi32>
        %gather3A_202 = tpu.vector_load_idx %arg10[%broadcast_in_dim3A_201, %get3A_187] : memref<4x10000xf32, #tpu.memory_space<vmem>>[vector<16xi32>, vector<16xi32>], vector<16xf32>,
        %get3A_203 = arith.index_cast %scan3A_114 : i32 to index
        %get3A_204 = arith.constant 80 : index
        %get3A_205 = tpu.vector_load %arg6[%get3A_203, %get3A_204] {strides = array<i32>} : memref<40x128xi32, #tpu.memory_space<vmem>>, vector<16xi32>,
        %get3A_206 = arith.index_cast %scan3A_114 : i32 to index
        %get3A_207 = arith.constant 80 : index
        %get3A_208 = tpu.vector_load %arg8[%get3A_206, %get3A_207] {strides = array<i32>} : memref<40x128xi32, #tpu.memory_space<vmem>>, vector<16xi32>,
        %broadcast_in_dim3A_209 = arith.constant 0 : i32
        %broadcast_in_dim3A_210 = vector.broadcast %broadcast_in_dim3A_209 : i32 to vector<16xi32>
        %gather3A_211 = tpu.vector_load_idx %arg10[%broadcast_in_dim3A_210, %get3A_205] : memref<4x10000xf32, #tpu.memory_space<vmem>>[vector<16xi32>, vector<16xi32>], vector<16xf32>,
        %broadcast_in_dim3A_212 = arith.constant 1 : i32
        %broadcast_in_dim3A_213 = vector.broadcast %broadcast_in_dim3A_212 : i32 to vector<16xi32>
        %gather3A_214 = tpu.vector_load_idx %arg10[%broadcast_in_dim3A_213, %get3A_205] : memref<4x10000xf32, #tpu.memory_space<vmem>>[vector<16xi32>, vector<16xi32>], vector<16xf32>,
        %broadcast_in_dim3A_215 = arith.constant 2 : i32
        %broadcast_in_dim3A_216 = vector.broadcast %broadcast_in_dim3A_215 : i32 to vector<16xi32>
        %gather3A_217 = tpu.vector_load_idx %arg10[%broadcast_in_dim3A_216, %get3A_205] : memref<4x10000xf32, #tpu.memory_space<vmem>>[vector<16xi32>, vector<16xi32>], vector<16xf32>,
        %broadcast_in_dim3A_218 = arith.constant 3 : i32
        %broadcast_in_dim3A_219 = vector.broadcast %broadcast_in_dim3A_218 : i32 to vector<16xi32>
        %gather3A_220 = tpu.vector_load_idx %arg10[%broadcast_in_dim3A_219, %get3A_205] : memref<4x10000xf32, #tpu.memory_space<vmem>>[vector<16xi32>, vector<16xi32>], vector<16xf32>,
        tpu.vector_store_idx %arg11[%broadcast_in_dim3A_192, %get3A_190], %gather3A_193 {add = true} : memref<4x10112xf32, #tpu.memory_space<vmem>>[vector<16xi32>, vector<16xi32>], vector<16xf32>,
        tpu.vector_store_idx %arg11[%broadcast_in_dim3A_195, %get3A_190], %gather3A_196 {add = true} : memref<4x10112xf32, #tpu.memory_space<vmem>>[vector<16xi32>, vector<16xi32>], vector<16xf32>,
        tpu.vector_store_idx %arg11[%broadcast_in_dim3A_198, %get3A_190], %gather3A_199 {add = true} : memref<4x10112xf32, #tpu.memory_space<vmem>>[vector<16xi32>, vector<16xi32>], vector<16xf32>,
        tpu.vector_store_idx %arg11[%broadcast_in_dim3A_201, %get3A_190], %gather3A_202 {add = true} : memref<4x10112xf32, #tpu.memory_space<vmem>>[vector<16xi32>, vector<16xi32>], vector<16xf32>,
        tpu.vector_store_idx %arg11[%broadcast_in_dim3A_210, %get3A_208], %gather3A_211 {add = true} : memref<4x10112xf32, #tpu.memory_space<vmem>>[vector<16xi32>, vector<16xi32>], vector<16xf32>,
        tpu.vector_store_idx %arg11[%broadcast_in_dim3A_213, %get3A_208], %gather3A_214 {add = true} : memref<4x10112xf32, #tpu.memory_space<vmem>>[vector<16xi32>, vector<16xi32>], vector<16xf32>,
        tpu.vector_store_idx %arg11[%broadcast_in_dim3A_216, %get3A_208], %gather3A_217 {add = true} : memref<4x10112xf32, #tpu.memory_space<vmem>>[vector<16xi32>, vector<16xi32>], vector<16xf32>,
        tpu.vector_store_idx %arg11[%broadcast_in_dim3A_219, %get3A_208], %gather3A_220 {add = true} : memref<4x10112xf32, #tpu.memory_space<vmem>>[vector<16xi32>, vector<16xi32>], vector<16xf32>,
        %get3A_221 = arith.index_cast %scan3A_114 : i32 to index
        %get3A_222 = arith.constant 96 : index
        %get3A_223 = tpu.vector_load %arg6[%get3A_221, %get3A_222] {strides = array<i32>} : memref<40x128xi32, #tpu.memory_space<vmem>>, vector<16xi32>,
        %get3A_224 = arith.index_cast %scan3A_114 : i32 to index
        %get3A_225 = arith.constant 96 : index
        %get3A_226 = tpu.vector_load %arg8[%get3A_224, %get3A_225] {strides = array<i32>} : memref<40x128xi32, #tpu.memory_space<vmem>>, vector<16xi32>,
        %broadcast_in_dim3A_227 = arith.constant 0 : i32
        %broadcast_in_dim3A_228 = vector.broadcast %broadcast_in_dim3A_227 : i32 to vector<16xi32>
        %gather3A_229 = tpu.vector_load_idx %arg10[%broadcast_in_dim3A_228, %get3A_223] : memref<4x10000xf32, #tpu.memory_space<vmem>>[vector<16xi32>, vector<16xi32>], vector<16xf32>,
        %broadcast_in_dim3A_230 = arith.constant 1 : i32
        %broadcast_in_dim3A_231 = vector.broadcast %broadcast_in_dim3A_230 : i32 to vector<16xi32>
        %gather3A_232 = tpu.vector_load_idx %arg10[%broadcast_in_dim3A_231, %get3A_223] : memref<4x10000xf32, #tpu.memory_space<vmem>>[vector<16xi32>, vector<16xi32>], vector<16xf32>,
        %broadcast_in_dim3A_233 = arith.constant 2 : i32
        %broadcast_in_dim3A_234 = vector.broadcast %broadcast_in_dim3A_233 : i32 to vector<16xi32>
        %gather3A_235 = tpu.vector_load_idx %arg10[%broadcast_in_dim3A_234, %get3A_223] : memref<4x10000xf32, #tpu.memory_space<vmem>>[vector<16xi32>, vector<16xi32>], vector<16xf32>,
        %broadcast_in_dim3A_236 = arith.constant 3 : i32
        %broadcast_in_dim3A_237 = vector.broadcast %broadcast_in_dim3A_236 : i32 to vector<16xi32>
        %gather3A_238 = tpu.vector_load_idx %arg10[%broadcast_in_dim3A_237, %get3A_223] : memref<4x10000xf32, #tpu.memory_space<vmem>>[vector<16xi32>, vector<16xi32>], vector<16xf32>,
        %get3A_239 = arith.index_cast %scan3A_114 : i32 to index
        %get3A_240 = arith.constant 112 : index
        %get3A_241 = tpu.vector_load %arg6[%get3A_239, %get3A_240] {strides = array<i32>} : memref<40x128xi32, #tpu.memory_space<vmem>>, vector<16xi32>,
        %get3A_242 = arith.index_cast %scan3A_114 : i32 to index
        %get3A_243 = arith.constant 112 : index
        %get3A_244 = tpu.vector_load %arg8[%get3A_242, %get3A_243] {strides = array<i32>} : memref<40x128xi32, #tpu.memory_space<vmem>>, vector<16xi32>,
        %broadcast_in_dim3A_245 = arith.constant 0 : i32
        %broadcast_in_dim3A_246 = vector.broadcast %broadcast_in_dim3A_245 : i32 to vector<16xi32>
        %gather3A_247 = tpu.vector_load_idx %arg10[%broadcast_in_dim3A_246, %get3A_241] : memref<4x10000xf32, #tpu.memory_space<vmem>>[vector<16xi32>, vector<16xi32>], vector<16xf32>,
        %broadcast_in_dim3A_248 = arith.constant 1 : i32
        %broadcast_in_dim3A_249 = vector.broadcast %broadcast_in_dim3A_248 : i32 to vector<16xi32>
        %gather3A_250 = tpu.vector_load_idx %arg10[%broadcast_in_dim3A_249, %get3A_241] : memref<4x10000xf32, #tpu.memory_space<vmem>>[vector<16xi32>, vector<16xi32>], vector<16xf32>,
        %broadcast_in_dim3A_251 = arith.constant 2 : i32
        %broadcast_in_dim3A_252 = vector.broadcast %broadcast_in_dim3A_251 : i32 to vector<16xi32>
        %gather3A_253 = tpu.vector_load_idx %arg10[%broadcast_in_dim3A_252, %get3A_241] : memref<4x10000xf32, #tpu.memory_space<vmem>>[vector<16xi32>, vector<16xi32>], vector<16xf32>,
        %broadcast_in_dim3A_254 = arith.constant 3 : i32
        %broadcast_in_dim3A_255 = vector.broadcast %broadcast_in_dim3A_254 : i32 to vector<16xi32>
        %gather3A_256 = tpu.vector_load_idx %arg10[%broadcast_in_dim3A_255, %get3A_241] : memref<4x10000xf32, #tpu.memory_space<vmem>>[vector<16xi32>, vector<16xi32>], vector<16xf32>,
        tpu.vector_store_idx %arg11[%broadcast_in_dim3A_228, %get3A_226], %gather3A_229 {add = true} : memref<4x10112xf32, #tpu.memory_space<vmem>>[vector<16xi32>, vector<16xi32>], vector<16xf32>,
        tpu.vector_store_idx %arg11[%broadcast_in_dim3A_231, %get3A_226], %gather3A_232 {add = true} : memref<4x10112xf32, #tpu.memory_space<vmem>>[vector<16xi32>, vector<16xi32>], vector<16xf32>,
        tpu.vector_store_idx %arg11[%broadcast_in_dim3A_234, %get3A_226], %gather3A_235 {add = true} : memref<4x10112xf32, #tpu.memory_space<vmem>>[vector<16xi32>, vector<16xi32>], vector<16xf32>,
        tpu.vector_store_idx %arg11[%broadcast_in_dim3A_237, %get3A_226], %gather3A_238 {add = true} : memref<4x10112xf32, #tpu.memory_space<vmem>>[vector<16xi32>, vector<16xi32>], vector<16xf32>,
        tpu.vector_store_idx %arg11[%broadcast_in_dim3A_246, %get3A_244], %gather3A_247 {add = true} : memref<4x10112xf32, #tpu.memory_space<vmem>>[vector<16xi32>, vector<16xi32>], vector<16xf32>,
        tpu.vector_store_idx %arg11[%broadcast_in_dim3A_249, %get3A_244], %gather3A_250 {add = true} : memref<4x10112xf32, #tpu.memory_space<vmem>>[vector<16xi32>, vector<16xi32>], vector<16xf32>,
        tpu.vector_store_idx %arg11[%broadcast_in_dim3A_252, %get3A_244], %gather3A_253 {add = true} : memref<4x10112xf32, #tpu.memory_space<vmem>>[vector<16xi32>, vector<16xi32>], vector<16xf32>,
        tpu.vector_store_idx %arg11[%broadcast_in_dim3A_255, %get3A_244], %gather3A_256 {add = true} : memref<4x10112xf32, #tpu.memory_space<vmem>>[vector<16xi32>, vector<16xi32>], vector<16xf32>,
      }
      %scan3A_89 = arith.constant 40 : i32
      %add3A_90 = arith.constant 1 : i32
      %add3A_91 = arith.addi %mul3A_60, %add3A_90 : i32
      %mul3A_92 = arith.constant 40 : i32
      %mul3A_93 = arith.muli %add3A_91, %mul3A_92 : i32
      %add3A_94 = arith.addi %mul3A_40, %mul3A_93 : i32
      %dma_wait3A_95 = arith.constant 0 : i32
      %dma_wait3A_96 = tpu.memref_slice %arg3[%add3A_94, %dma_wait3A_95] : memref<2560x128xi32, #tpu.memory_space<hbm>> -> memref<40x128xi32, #tpu.memory_space<hbm>>
      %dma_wait3A_97 = arith.constant 0 : i32
      %dma_wait3A_98 = tpu.memref_slice %arg3[%add3A_94, %dma_wait3A_97] : memref<2560x128xi32, #tpu.memory_space<hbm>> -> memref<40x128xi32, #tpu.memory_space<hbm>>
      tpu.wait_dma2 semaphore(%arg14 : memref<!tpu.dma_semaphore, #tpu.memory_space<semaphore_mem>>) src(%dma_wait3A_98 : memref<40x128xi32, #tpu.memory_space<hbm>>) dst(%arg7 : memref<40x128xi32, #tpu.memory_space<vmem>>)
      %dma_wait3A_99 = arith.constant 0 : i32
      %dma_wait3A_100 = tpu.memref_slice %arg4[%add3A_94, %dma_wait3A_99] : memref<2560x128xi32, #tpu.memory_space<hbm>> -> memref<40x128xi32, #tpu.memory_space<hbm>>
      %dma_wait3A_101 = arith.constant 0 : i32
      %dma_wait3A_102 = tpu.memref_slice %arg4[%add3A_94, %dma_wait3A_101] : memref<2560x128xi32, #tpu.memory_space<hbm>> -> memref<40x128xi32, #tpu.memory_space<hbm>>
      tpu.wait_dma2 semaphore(%arg15 : memref<!tpu.dma_semaphore, #tpu.memory_space<semaphore_mem>>) src(%dma_wait3A_102 : memref<40x128xi32, #tpu.memory_space<hbm>>) dst(%arg9 : memref<40x128xi32, #tpu.memory_space<vmem>>)
      %add3A_103 = arith.constant 2 : i32
      %add3A_104 = arith.addi %mul3A_60, %add3A_103 : i32
      %lt3A_105 = arith.constant 32 : i32
      %lt3A_106 = arith.cmpi slt, %add3A_104, %lt3A_105 : i32
      %convert_element_type3A = arith.extui %lt3A_106 : i1 to i32
      %cond3A = arith.constant 0 : i32
      %cond3A_107 = arith.cmpi ne, %convert_element_type3A, %cond3A : i32
      scf.if %cond3A_107 {
        %add3A_114 = arith.constant 2 : i32
        %add3A_115 = arith.addi %mul3A_60, %add3A_114 : i32
        %mul3A_116 = arith.constant 40 : i32
        %mul3A_117 = arith.muli %add3A_115, %mul3A_116 : i32
        %add3A_118 = arith.addi %mul3A_40, %mul3A_117 : i32
        %dma_start3A_119 = arith.constant 0 : i32
        %dma_start3A_120 = tpu.memref_slice %arg3[%add3A_118, %dma_start3A_119] : memref<2560x128xi32, #tpu.memory_space<hbm>> -> memref<40x128xi32, #tpu.memory_space<hbm>>
        %dma_start3A_121 = arith.constant 0 : i32
        %dma_start3A_122 = tpu.memref_slice %arg3[%add3A_118, %dma_start3A_121] : memref<2560x128xi32, #tpu.memory_space<hbm>> -> memref<40x128xi32, #tpu.memory_space<hbm>>
        tpu.enqueue_dma source(%dma_start3A_122 : memref<40x128xi32, #tpu.memory_space<hbm>>) target(%arg6 : memref<40x128xi32, #tpu.memory_space<vmem>>) target_semaphore(%arg12 : memref<!tpu.dma_semaphore, #tpu.memory_space<semaphore_mem>>)
        %dma_start3A_123 = arith.constant 0 : i32
        %dma_start3A_124 = tpu.memref_slice %arg4[%add3A_118, %dma_start3A_123] : memref<2560x128xi32, #tpu.memory_space<hbm>> -> memref<40x128xi32, #tpu.memory_space<hbm>>
        %dma_start3A_125 = arith.constant 0 : i32
        %dma_start3A_126 = tpu.memref_slice %arg4[%add3A_118, %dma_start3A_125] : memref<2560x128xi32, #tpu.memory_space<hbm>> -> memref<40x128xi32, #tpu.memory_space<hbm>>
        tpu.enqueue_dma source(%dma_start3A_126 : memref<40x128xi32, #tpu.memory_space<hbm>>) target(%arg8 : memref<40x128xi32, #tpu.memory_space<vmem>>) target_semaphore(%arg13 : memref<!tpu.dma_semaphore, #tpu.memory_space<semaphore_mem>>)
      } else {
      }
      %scan3A_108 = arith.constant 0 : i32
      %scan3A_109 = arith.constant 0 : i32
      %scan3A_110 = arith.constant 40 : i32
      %scan3A_111 = arith.addi %scan3A_109, %scan3A_110 : i32
      %scan3A_112 = arith.constant 1 : i32
      scf.for %scan3A_114 = %scan3A_109 to %scan3A_111 step %scan3A_112  : i32 {
        %get3A = arith.index_cast %scan3A_114 : i32 to index
        %get3A_115 = arith.constant 0 : index
        %get3A_116 = tpu.vector_load %arg7[%get3A, %get3A_115] {strides = array<i32>} : memref<40x128xi32, #tpu.memory_space<vmem>>, vector<16xi32>,
        %get3A_117 = arith.index_cast %scan3A_114 : i32 to index
        %get3A_118 = arith.constant 0 : index
        %get3A_119 = tpu.vector_load %arg9[%get3A_117, %get3A_118] {strides = array<i32>} : memref<40x128xi32, #tpu.memory_space<vmem>>, vector<16xi32>,
        %broadcast_in_dim3A_120 = arith.constant 0 : i32
        %broadcast_in_dim3A_121 = vector.broadcast %broadcast_in_dim3A_120 : i32 to vector<16xi32>
        %gather3A = tpu.vector_load_idx %arg10[%broadcast_in_dim3A_121, %get3A_116] : memref<4x10000xf32, #tpu.memory_space<vmem>>[vector<16xi32>, vector<16xi32>], vector<16xf32>,
        %broadcast_in_dim3A_122 = arith.constant 1 : i32
        %broadcast_in_dim3A_123 = vector.broadcast %broadcast_in_dim3A_122 : i32 to vector<16xi32>
        %gather3A_124 = tpu.vector_load_idx %arg10[%broadcast_in_dim3A_123, %get3A_116] : memref<4x10000xf32, #tpu.memory_space<vmem>>[vector<16xi32>, vector<16xi32>], vector<16xf32>,
        %broadcast_in_dim3A_125 = arith.constant 2 : i32
        %broadcast_in_dim3A_126 = vector.broadcast %broadcast_in_dim3A_125 : i32 to vector<16xi32>
        %gather3A_127 = tpu.vector_load_idx %arg10[%broadcast_in_dim3A_126, %get3A_116] : memref<4x10000xf32, #tpu.memory_space<vmem>>[vector<16xi32>, vector<16xi32>], vector<16xf32>,
        %broadcast_in_dim3A_128 = arith.constant 3 : i32
        %broadcast_in_dim3A_129 = vector.broadcast %broadcast_in_dim3A_128 : i32 to vector<16xi32>
        %gather3A_130 = tpu.vector_load_idx %arg10[%broadcast_in_dim3A_129, %get3A_116] : memref<4x10000xf32, #tpu.memory_space<vmem>>[vector<16xi32>, vector<16xi32>], vector<16xf32>,
        %get3A_131 = arith.index_cast %scan3A_114 : i32 to index
        %get3A_132 = arith.constant 16 : index
        %get3A_133 = tpu.vector_load %arg7[%get3A_131, %get3A_132] {strides = array<i32>} : memref<40x128xi32, #tpu.memory_space<vmem>>, vector<16xi32>,
        %get3A_134 = arith.index_cast %scan3A_114 : i32 to index
        %get3A_135 = arith.constant 16 : index
        %get3A_136 = tpu.vector_load %arg9[%get3A_134, %get3A_135] {strides = array<i32>} : memref<40x128xi32, #tpu.memory_space<vmem>>, vector<16xi32>,
        %broadcast_in_dim3A_137 = arith.constant 0 : i32
        %broadcast_in_dim3A_138 = vector.broadcast %broadcast_in_dim3A_137 : i32 to vector<16xi32>
        %gather3A_139 = tpu.vector_load_idx %arg10[%broadcast_in_dim3A_138, %get3A_133] : memref<4x10000xf32, #tpu.memory_space<vmem>>[vector<16xi32>, vector<16xi32>], vector<16xf32>,
        %broadcast_in_dim3A_140 = arith.constant 1 : i32
        %broadcast_in_dim3A_141 = vector.broadcast %broadcast_in_dim3A_140 : i32 to vector<16xi32>
        %gather3A_142 = tpu.vector_load_idx %arg10[%broadcast_in_dim3A_141, %get3A_133] : memref<4x10000xf32, #tpu.memory_space<vmem>>[vector<16xi32>, vector<16xi32>], vector<16xf32>,
        %broadcast_in_dim3A_143 = arith.constant 2 : i32
        %broadcast_in_dim3A_144 = vector.broadcast %broadcast_in_dim3A_143 : i32 to vector<16xi32>
        %gather3A_145 = tpu.vector_load_idx %arg10[%broadcast_in_dim3A_144, %get3A_133] : memref<4x10000xf32, #tpu.memory_space<vmem>>[vector<16xi32>, vector<16xi32>], vector<16xf32>,
        %broadcast_in_dim3A_146 = arith.constant 3 : i32
        %broadcast_in_dim3A_147 = vector.broadcast %broadcast_in_dim3A_146 : i32 to vector<16xi32>
        %gather3A_148 = tpu.vector_load_idx %arg10[%broadcast_in_dim3A_147, %get3A_133] : memref<4x10000xf32, #tpu.memory_space<vmem>>[vector<16xi32>, vector<16xi32>], vector<16xf32>,
        tpu.vector_store_idx %arg11[%broadcast_in_dim3A_121, %get3A_119], %gather3A {add = true} : memref<4x10112xf32, #tpu.memory_space<vmem>>[vector<16xi32>, vector<16xi32>], vector<16xf32>,
        tpu.vector_store_idx %arg11[%broadcast_in_dim3A_123, %get3A_119], %gather3A_124 {add = true} : memref<4x10112xf32, #tpu.memory_space<vmem>>[vector<16xi32>, vector<16xi32>], vector<16xf32>,
        tpu.vector_store_idx %arg11[%broadcast_in_dim3A_126, %get3A_119], %gather3A_127 {add = true} : memref<4x10112xf32, #tpu.memory_space<vmem>>[vector<16xi32>, vector<16xi32>], vector<16xf32>,
        tpu.vector_store_idx %arg11[%broadcast_in_dim3A_129, %get3A_119], %gather3A_130 {add = true} : memref<4x10112xf32, #tpu.memory_space<vmem>>[vector<16xi32>, vector<16xi32>], vector<16xf32>,
        tpu.vector_store_idx %arg11[%broadcast_in_dim3A_138, %get3A_136], %gather3A_139 {add = true} : memref<4x10112xf32, #tpu.memory_space<vmem>>[vector<16xi32>, vector<16xi32>], vector<16xf32>,
        tpu.vector_store_idx %arg11[%broadcast_in_dim3A_141, %get3A_136], %gather3A_142 {add = true} : memref<4x10112xf32, #tpu.memory_space<vmem>>[vector<16xi32>, vector<16xi32>], vector<16xf32>,
        tpu.vector_store_idx %arg11[%broadcast_in_dim3A_144, %get3A_136], %gather3A_145 {add = true} : memref<4x10112xf32, #tpu.memory_space<vmem>>[vector<16xi32>, vector<16xi32>], vector<16xf32>,
        tpu.vector_store_idx %arg11[%broadcast_in_dim3A_147, %get3A_136], %gather3A_148 {add = true} : memref<4x10112xf32, #tpu.memory_space<vmem>>[vector<16xi32>, vector<16xi32>], vector<16xf32>,
        %get3A_149 = arith.index_cast %scan3A_114 : i32 to index
        %get3A_150 = arith.constant 32 : index
        %get3A_151 = tpu.vector_load %arg7[%get3A_149, %get3A_150] {strides = array<i32>} : memref<40x128xi32, #tpu.memory_space<vmem>>, vector<16xi32>,
        %get3A_152 = arith.index_cast %scan3A_114 : i32 to index
        %get3A_153 = arith.constant 32 : index
        %get3A_154 = tpu.vector_load %arg9[%get3A_152, %get3A_153] {strides = array<i32>} : memref<40x128xi32, #tpu.memory_space<vmem>>, vector<16xi32>,
        %broadcast_in_dim3A_155 = arith.constant 0 : i32
        %broadcast_in_dim3A_156 = vector.broadcast %broadcast_in_dim3A_155 : i32 to vector<16xi32>
        %gather3A_157 = tpu.vector_load_idx %arg10[%broadcast_in_dim3A_156, %get3A_151] : memref<4x10000xf32, #tpu.memory_space<vmem>>[vector<16xi32>, vector<16xi32>], vector<16xf32>,
        %broadcast_in_dim3A_158 = arith.constant 1 : i32
        %broadcast_in_dim3A_159 = vector.broadcast %broadcast_in_dim3A_158 : i32 to vector<16xi32>
        %gather3A_160 = tpu.vector_load_idx %arg10[%broadcast_in_dim3A_159, %get3A_151] : memref<4x10000xf32, #tpu.memory_space<vmem>>[vector<16xi32>, vector<16xi32>], vector<16xf32>,
        %broadcast_in_dim3A_161 = arith.constant 2 : i32
        %broadcast_in_dim3A_162 = vector.broadcast %broadcast_in_dim3A_161 : i32 to vector<16xi32>
        %gather3A_163 = tpu.vector_load_idx %arg10[%broadcast_in_dim3A_162, %get3A_151] : memref<4x10000xf32, #tpu.memory_space<vmem>>[vector<16xi32>, vector<16xi32>], vector<16xf32>,
        %broadcast_in_dim3A_164 = arith.constant 3 : i32
        %broadcast_in_dim3A_165 = vector.broadcast %broadcast_in_dim3A_164 : i32 to vector<16xi32>
        %gather3A_166 = tpu.vector_load_idx %arg10[%broadcast_in_dim3A_165, %get3A_151] : memref<4x10000xf32, #tpu.memory_space<vmem>>[vector<16xi32>, vector<16xi32>], vector<16xf32>,
        %get3A_167 = arith.index_cast %scan3A_114 : i32 to index
        %get3A_168 = arith.constant 48 : index
        %get3A_169 = tpu.vector_load %arg7[%get3A_167, %get3A_168] {strides = array<i32>} : memref<40x128xi32, #tpu.memory_space<vmem>>, vector<16xi32>,
        %get3A_170 = arith.index_cast %scan3A_114 : i32 to index
        %get3A_171 = arith.constant 48 : index
        %get3A_172 = tpu.vector_load %arg9[%get3A_170, %get3A_171] {strides = array<i32>} : memref<40x128xi32, #tpu.memory_space<vmem>>, vector<16xi32>,
        %broadcast_in_dim3A_173 = arith.constant 0 : i32
        %broadcast_in_dim3A_174 = vector.broadcast %broadcast_in_dim3A_173 : i32 to vector<16xi32>
        %gather3A_175 = tpu.vector_load_idx %arg10[%broadcast_in_dim3A_174, %get3A_169] : memref<4x10000xf32, #tpu.memory_space<vmem>>[vector<16xi32>, vector<16xi32>], vector<16xf32>,
        %broadcast_in_dim3A_176 = arith.constant 1 : i32
        %broadcast_in_dim3A_177 = vector.broadcast %broadcast_in_dim3A_176 : i32 to vector<16xi32>
        %gather3A_178 = tpu.vector_load_idx %arg10[%broadcast_in_dim3A_177, %get3A_169] : memref<4x10000xf32, #tpu.memory_space<vmem>>[vector<16xi32>, vector<16xi32>], vector<16xf32>,
        %broadcast_in_dim3A_179 = arith.constant 2 : i32
        %broadcast_in_dim3A_180 = vector.broadcast %broadcast_in_dim3A_179 : i32 to vector<16xi32>
        %gather3A_181 = tpu.vector_load_idx %arg10[%broadcast_in_dim3A_180, %get3A_169] : memref<4x10000xf32, #tpu.memory_space<vmem>>[vector<16xi32>, vector<16xi32>], vector<16xf32>,
        %broadcast_in_dim3A_182 = arith.constant 3 : i32
        %broadcast_in_dim3A_183 = vector.broadcast %broadcast_in_dim3A_182 : i32 to vector<16xi32>
        %gather3A_184 = tpu.vector_load_idx %arg10[%broadcast_in_dim3A_183, %get3A_169] : memref<4x10000xf32, #tpu.memory_space<vmem>>[vector<16xi32>, vector<16xi32>], vector<16xf32>,
        tpu.vector_store_idx %arg11[%broadcast_in_dim3A_156, %get3A_154], %gather3A_157 {add = true} : memref<4x10112xf32, #tpu.memory_space<vmem>>[vector<16xi32>, vector<16xi32>], vector<16xf32>,
        tpu.vector_store_idx %arg11[%broadcast_in_dim3A_159, %get3A_154], %gather3A_160 {add = true} : memref<4x10112xf32, #tpu.memory_space<vmem>>[vector<16xi32>, vector<16xi32>], vector<16xf32>,
        tpu.vector_store_idx %arg11[%broadcast_in_dim3A_162, %get3A_154], %gather3A_163 {add = true} : memref<4x10112xf32, #tpu.memory_space<vmem>>[vector<16xi32>, vector<16xi32>], vector<16xf32>,
        tpu.vector_store_idx %arg11[%broadcast_in_dim3A_165, %get3A_154], %gather3A_166 {add = true} : memref<4x10112xf32, #tpu.memory_space<vmem>>[vector<16xi32>, vector<16xi32>], vector<16xf32>,
        tpu.vector_store_idx %arg11[%broadcast_in_dim3A_174, %get3A_172], %gather3A_175 {add = true} : memref<4x10112xf32, #tpu.memory_space<vmem>>[vector<16xi32>, vector<16xi32>], vector<16xf32>,
        tpu.vector_store_idx %arg11[%broadcast_in_dim3A_177, %get3A_172], %gather3A_178 {add = true} : memref<4x10112xf32, #tpu.memory_space<vmem>>[vector<16xi32>, vector<16xi32>], vector<16xf32>,
        tpu.vector_store_idx %arg11[%broadcast_in_dim3A_180, %get3A_172], %gather3A_181 {add = true} : memref<4x10112xf32, #tpu.memory_space<vmem>>[vector<16xi32>, vector<16xi32>], vector<16xf32>,
        tpu.vector_store_idx %arg11[%broadcast_in_dim3A_183, %get3A_172], %gather3A_184 {add = true} : memref<4x10112xf32, #tpu.memory_space<vmem>>[vector<16xi32>, vector<16xi32>], vector<16xf32>,
        %get3A_185 = arith.index_cast %scan3A_114 : i32 to index
        %get3A_186 = arith.constant 64 : index
        %get3A_187 = tpu.vector_load %arg7[%get3A_185, %get3A_186] {strides = array<i32>} : memref<40x128xi32, #tpu.memory_space<vmem>>, vector<16xi32>,
        %get3A_188 = arith.index_cast %scan3A_114 : i32 to index
        %get3A_189 = arith.constant 64 : index
        %get3A_190 = tpu.vector_load %arg9[%get3A_188, %get3A_189] {strides = array<i32>} : memref<40x128xi32, #tpu.memory_space<vmem>>, vector<16xi32>,
        %broadcast_in_dim3A_191 = arith.constant 0 : i32
        %broadcast_in_dim3A_192 = vector.broadcast %broadcast_in_dim3A_191 : i32 to vector<16xi32>
        %gather3A_193 = tpu.vector_load_idx %arg10[%broadcast_in_dim3A_192, %get3A_187] : memref<4x10000xf32, #tpu.memory_space<vmem>>[vector<16xi32>, vector<16xi32>], vector<16xf32>,
        %broadcast_in_dim3A_194 = arith.constant 1 : i32
        %broadcast_in_dim3A_195 = vector.broadcast %broadcast_in_dim3A_194 : i32 to vector<16xi32>
        %gather3A_196 = tpu.vector_load_idx %arg10[%broadcast_in_dim3A_195, %get3A_187] : memref<4x10000xf32, #tpu.memory_space<vmem>>[vector<16xi32>, vector<16xi32>], vector<16xf32>,
        %broadcast_in_dim3A_197 = arith.constant 2 : i32
        %broadcast_in_dim3A_198 = vector.broadcast %broadcast_in_dim3A_197 : i32 to vector<16xi32>
        %gather3A_199 = tpu.vector_load_idx %arg10[%broadcast_in_dim3A_198, %get3A_187] : memref<4x10000xf32, #tpu.memory_space<vmem>>[vector<16xi32>, vector<16xi32>], vector<16xf32>,
        %broadcast_in_dim3A_200 = arith.constant 3 : i32
        %broadcast_in_dim3A_201 = vector.broadcast %broadcast_in_dim3A_200 : i32 to vector<16xi32>
        %gather3A_202 = tpu.vector_load_idx %arg10[%broadcast_in_dim3A_201, %get3A_187] : memref<4x10000xf32, #tpu.memory_space<vmem>>[vector<16xi32>, vector<16xi32>], vector<16xf32>,
        %get3A_203 = arith.index_cast %scan3A_114 : i32 to index
        %get3A_204 = arith.constant 80 : index
        %get3A_205 = tpu.vector_load %arg7[%get3A_203, %get3A_204] {strides = array<i32>} : memref<40x128xi32, #tpu.memory_space<vmem>>, vector<16xi32>,
        %get3A_206 = arith.index_cast %scan3A_114 : i32 to index
        %get3A_207 = arith.constant 80 : index
        %get3A_208 = tpu.vector_load %arg9[%get3A_206, %get3A_207] {strides = array<i32>} : memref<40x128xi32, #tpu.memory_space<vmem>>, vector<16xi32>,
        %broadcast_in_dim3A_209 = arith.constant 0 : i32
        %broadcast_in_dim3A_210 = vector.broadcast %broadcast_in_dim3A_209 : i32 to vector<16xi32>
        %gather3A_211 = tpu.vector_load_idx %arg10[%broadcast_in_dim3A_210, %get3A_205] : memref<4x10000xf32, #tpu.memory_space<vmem>>[vector<16xi32>, vector<16xi32>], vector<16xf32>,
        %broadcast_in_dim3A_212 = arith.constant 1 : i32
        %broadcast_in_dim3A_213 = vector.broadcast %broadcast_in_dim3A_212 : i32 to vector<16xi32>
        %gather3A_214 = tpu.vector_load_idx %arg10[%broadcast_in_dim3A_213, %get3A_205] : memref<4x10000xf32, #tpu.memory_space<vmem>>[vector<16xi32>, vector<16xi32>], vector<16xf32>,
        %broadcast_in_dim3A_215 = arith.constant 2 : i32
        %broadcast_in_dim3A_216 = vector.broadcast %broadcast_in_dim3A_215 : i32 to vector<16xi32>
        %gather3A_217 = tpu.vector_load_idx %arg10[%broadcast_in_dim3A_216, %get3A_205] : memref<4x10000xf32, #tpu.memory_space<vmem>>[vector<16xi32>, vector<16xi32>], vector<16xf32>,
        %broadcast_in_dim3A_218 = arith.constant 3 : i32
        %broadcast_in_dim3A_219 = vector.broadcast %broadcast_in_dim3A_218 : i32 to vector<16xi32>
        %gather3A_220 = tpu.vector_load_idx %arg10[%broadcast_in_dim3A_219, %get3A_205] : memref<4x10000xf32, #tpu.memory_space<vmem>>[vector<16xi32>, vector<16xi32>], vector<16xf32>,
        tpu.vector_store_idx %arg11[%broadcast_in_dim3A_192, %get3A_190], %gather3A_193 {add = true} : memref<4x10112xf32, #tpu.memory_space<vmem>>[vector<16xi32>, vector<16xi32>], vector<16xf32>,
        tpu.vector_store_idx %arg11[%broadcast_in_dim3A_195, %get3A_190], %gather3A_196 {add = true} : memref<4x10112xf32, #tpu.memory_space<vmem>>[vector<16xi32>, vector<16xi32>], vector<16xf32>,
        tpu.vector_store_idx %arg11[%broadcast_in_dim3A_198, %get3A_190], %gather3A_199 {add = true} : memref<4x10112xf32, #tpu.memory_space<vmem>>[vector<16xi32>, vector<16xi32>], vector<16xf32>,
        tpu.vector_store_idx %arg11[%broadcast_in_dim3A_201, %get3A_190], %gather3A_202 {add = true} : memref<4x10112xf32, #tpu.memory_space<vmem>>[vector<16xi32>, vector<16xi32>], vector<16xf32>,
        tpu.vector_store_idx %arg11[%broadcast_in_dim3A_210, %get3A_208], %gather3A_211 {add = true} : memref<4x10112xf32, #tpu.memory_space<vmem>>[vector<16xi32>, vector<16xi32>], vector<16xf32>,
        tpu.vector_store_idx %arg11[%broadcast_in_dim3A_213, %get3A_208], %gather3A_214 {add = true} : memref<4x10112xf32, #tpu.memory_space<vmem>>[vector<16xi32>, vector<16xi32>], vector<16xf32>,
        tpu.vector_store_idx %arg11[%broadcast_in_dim3A_216, %get3A_208], %gather3A_217 {add = true} : memref<4x10112xf32, #tpu.memory_space<vmem>>[vector<16xi32>, vector<16xi32>], vector<16xf32>,
        tpu.vector_store_idx %arg11[%broadcast_in_dim3A_219, %get3A_208], %gather3A_220 {add = true} : memref<4x10112xf32, #tpu.memory_space<vmem>>[vector<16xi32>, vector<16xi32>], vector<16xf32>,
        %get3A_221 = arith.index_cast %scan3A_114 : i32 to index
        %get3A_222 = arith.constant 96 : index
        %get3A_223 = tpu.vector_load %arg7[%get3A_221, %get3A_222] {strides = array<i32>} : memref<40x128xi32, #tpu.memory_space<vmem>>, vector<16xi32>,
        %get3A_224 = arith.index_cast %scan3A_114 : i32 to index
        %get3A_225 = arith.constant 96 : index
        %get3A_226 = tpu.vector_load %arg9[%get3A_224, %get3A_225] {strides = array<i32>} : memref<40x128xi32, #tpu.memory_space<vmem>>, vector<16xi32>,
        %broadcast_in_dim3A_227 = arith.constant 0 : i32
        %broadcast_in_dim3A_228 = vector.broadcast %broadcast_in_dim3A_227 : i32 to vector<16xi32>
        %gather3A_229 = tpu.vector_load_idx %arg10[%broadcast_in_dim3A_228, %get3A_223] : memref<4x10000xf32, #tpu.memory_space<vmem>>[vector<16xi32>, vector<16xi32>], vector<16xf32>,
        %broadcast_in_dim3A_230 = arith.constant 1 : i32
        %broadcast_in_dim3A_231 = vector.broadcast %broadcast_in_dim3A_230 : i32 to vector<16xi32>
        %gather3A_232 = tpu.vector_load_idx %arg10[%broadcast_in_dim3A_231, %get3A_223] : memref<4x10000xf32, #tpu.memory_space<vmem>>[vector<16xi32>, vector<16xi32>], vector<16xf32>,
        %broadcast_in_dim3A_233 = arith.constant 2 : i32
        %broadcast_in_dim3A_234 = vector.broadcast %broadcast_in_dim3A_233 : i32 to vector<16xi32>
        %gather3A_235 = tpu.vector_load_idx %arg10[%broadcast_in_dim3A_234, %get3A_223] : memref<4x10000xf32, #tpu.memory_space<vmem>>[vector<16xi32>, vector<16xi32>], vector<16xf32>,
        %broadcast_in_dim3A_236 = arith.constant 3 : i32
        %broadcast_in_dim3A_237 = vector.broadcast %broadcast_in_dim3A_236 : i32 to vector<16xi32>
        %gather3A_238 = tpu.vector_load_idx %arg10[%broadcast_in_dim3A_237, %get3A_223] : memref<4x10000xf32, #tpu.memory_space<vmem>>[vector<16xi32>, vector<16xi32>], vector<16xf32>,
        %get3A_239 = arith.index_cast %scan3A_114 : i32 to index
        %get3A_240 = arith.constant 112 : index
        %get3A_241 = tpu.vector_load %arg7[%get3A_239, %get3A_240] {strides = array<i32>} : memref<40x128xi32, #tpu.memory_space<vmem>>, vector<16xi32>,
        %get3A_242 = arith.index_cast %scan3A_114 : i32 to index
        %get3A_243 = arith.constant 112 : index
        %get3A_244 = tpu.vector_load %arg9[%get3A_242, %get3A_243] {strides = array<i32>} : memref<40x128xi32, #tpu.memory_space<vmem>>, vector<16xi32>,
        %broadcast_in_dim3A_245 = arith.constant 0 : i32
        %broadcast_in_dim3A_246 = vector.broadcast %broadcast_in_dim3A_245 : i32 to vector<16xi32>
        %gather3A_247 = tpu.vector_load_idx %arg10[%broadcast_in_dim3A_246, %get3A_241] : memref<4x10000xf32, #tpu.memory_space<vmem>>[vector<16xi32>, vector<16xi32>], vector<16xf32>,
        %broadcast_in_dim3A_248 = arith.constant 1 : i32
        %broadcast_in_dim3A_249 = vector.broadcast %broadcast_in_dim3A_248 : i32 to vector<16xi32>
        %gather3A_250 = tpu.vector_load_idx %arg10[%broadcast_in_dim3A_249, %get3A_241] : memref<4x10000xf32, #tpu.memory_space<vmem>>[vector<16xi32>, vector<16xi32>], vector<16xf32>,
        %broadcast_in_dim3A_251 = arith.constant 2 : i32
        %broadcast_in_dim3A_252 = vector.broadcast %broadcast_in_dim3A_251 : i32 to vector<16xi32>
        %gather3A_253 = tpu.vector_load_idx %arg10[%broadcast_in_dim3A_252, %get3A_241] : memref<4x10000xf32, #tpu.memory_space<vmem>>[vector<16xi32>, vector<16xi32>], vector<16xf32>,
        %broadcast_in_dim3A_254 = arith.constant 3 : i32
        %broadcast_in_dim3A_255 = vector.broadcast %broadcast_in_dim3A_254 : i32 to vector<16xi32>
        %gather3A_256 = tpu.vector_load_idx %arg10[%broadcast_in_dim3A_255, %get3A_241] : memref<4x10000xf32, #tpu.memory_space<vmem>>[vector<16xi32>, vector<16xi32>], vector<16xf32>,
        tpu.vector_store_idx %arg11[%broadcast_in_dim3A_228, %get3A_226], %gather3A_229 {add = true} : memref<4x10112xf32, #tpu.memory_space<vmem>>[vector<16xi32>, vector<16xi32>], vector<16xf32>,
        tpu.vector_store_idx %arg11[%broadcast_in_dim3A_231, %get3A_226], %gather3A_232 {add = true} : memref<4x10112xf32, #tpu.memory_space<vmem>>[vector<16xi32>, vector<16xi32>], vector<16xf32>,
        tpu.vector_store_idx %arg11[%broadcast_in_dim3A_234, %get3A_226], %gather3A_235 {add = true} : memref<4x10112xf32, #tpu.memory_space<vmem>>[vector<16xi32>, vector<16xi32>], vector<16xf32>,
        tpu.vector_store_idx %arg11[%broadcast_in_dim3A_237, %get3A_226], %gather3A_238 {add = true} : memref<4x10112xf32, #tpu.memory_space<vmem>>[vector<16xi32>, vector<16xi32>], vector<16xf32>,
        tpu.vector_store_idx %arg11[%broadcast_in_dim3A_246, %get3A_244], %gather3A_247 {add = true} : memref<4x10112xf32, #tpu.memory_space<vmem>>[vector<16xi32>, vector<16xi32>], vector<16xf32>,
        tpu.vector_store_idx %arg11[%broadcast_in_dim3A_249, %get3A_244], %gather3A_250 {add = true} : memref<4x10112xf32, #tpu.memory_space<vmem>>[vector<16xi32>, vector<16xi32>], vector<16xf32>,
        tpu.vector_store_idx %arg11[%broadcast_in_dim3A_252, %get3A_244], %gather3A_253 {add = true} : memref<4x10112xf32, #tpu.memory_space<vmem>>[vector<16xi32>, vector<16xi32>], vector<16xf32>,
        tpu.vector_store_idx %arg11[%broadcast_in_dim3A_255, %get3A_244], %gather3A_256 {add = true} : memref<4x10112xf32, #tpu.memory_space<vmem>>[vector<16xi32>, vector<16xi32>], vector<16xf32>,
      }
      %scan3A_113 = arith.constant 40 : i32
    }
    %scan3A_55 = arith.constant 16 : i32
    %mul3A_56 = arith.constant 4 : i32
    %mul3A_57 = arith.muli %select_n3A_30, %mul3A_56 : i32
    "tpu.region"() ({
      %run_scoped3A = tpu.sem_alloc : memref<!tpu.dma_semaphore, #tpu.memory_space<semaphore_mem>>
      %dma_start3A_58 = arith.constant 0 : i32
      %dma_start3A_59 = tpu.memref_slice %arg5[%select_n3A, %mul3A_57, %dma_start3A_58] : memref<2x64x10112xf32, #tpu.memory_space<hbm>> -> memref<1x4x10112xf32, #tpu.memory_space<hbm>>
      %dma_start3A_60 = tpu.memref_squeeze %dma_start3A_59 : memref<1x4x10112xf32, #tpu.memory_space<hbm>> -> memref<4x10112xf32, #tpu.memory_space<hbm>>
      %dma_start3A_61 = arith.constant 0 : i32
      %dma_start3A_62 = tpu.memref_slice %arg5[%select_n3A, %mul3A_57, %dma_start3A_61] : memref<2x64x10112xf32, #tpu.memory_space<hbm>> -> memref<1x4x10112xf32, #tpu.memory_space<hbm>>
      %dma_start3A_63 = tpu.memref_squeeze %dma_start3A_62 : memref<1x4x10112xf32, #tpu.memory_space<hbm>> -> memref<4x10112xf32, #tpu.memory_space<hbm>>
      tpu.enqueue_dma source(%arg11 : memref<4x10112xf32, #tpu.memory_space<vmem>>) target(%dma_start3A_63 : memref<4x10112xf32, #tpu.memory_space<hbm>>) target_semaphore(%run_scoped3A : memref<!tpu.dma_semaphore, #tpu.memory_space<semaphore_mem>>)
      %dma_wait3A = arith.constant 0 : i32
      %dma_wait3A_64 = tpu.memref_slice %arg5[%select_n3A, %mul3A_57, %dma_wait3A] : memref<2x64x10112xf32, #tpu.memory_space<hbm>> -> memref<1x4x10112xf32, #tpu.memory_space<hbm>>
      %dma_wait3A_65 = tpu.memref_squeeze %dma_wait3A_64 : memref<1x4x10112xf32, #tpu.memory_space<hbm>> -> memref<4x10112xf32, #tpu.memory_space<hbm>>
      %dma_wait3A_66 = arith.constant 0 : i32
      %dma_wait3A_67 = tpu.memref_slice %arg5[%select_n3A, %mul3A_57, %dma_wait3A_66] : memref<2x64x10112xf32, #tpu.memory_space<hbm>> -> memref<1x4x10112xf32, #tpu.memory_space<hbm>>
      %dma_wait3A_68 = tpu.memref_squeeze %dma_wait3A_67 : memref<1x4x10112xf32, #tpu.memory_space<hbm>> -> memref<4x10112xf32, #tpu.memory_space<hbm>>
      tpu.wait_dma2 semaphore(%run_scoped3A : memref<!tpu.dma_semaphore, #tpu.memory_space<semaphore_mem>>) src(%arg11 : memref<4x10112xf32, #tpu.memory_space<vmem>>) dst(%dma_wait3A_68 : memref<4x10112xf32, #tpu.memory_space<hbm>>)
      tpu.yield
    }) : () -> ()
    return
  }
}

module attributes {stable_mosaic.version = 14 : i64} {
  func.func @_pre_body(%arg0: i32, %arg1: memref<10000x128xf32, #tpu.memory_space<vmem>>, %arg2: memref<128x64xf32, #tpu.memory_space<vmem>>, %arg3: memref<1x64xf32, #tpu.memory_space<vmem>>, %arg4: memref<10000x64xf32, #tpu.memory_space<vmem>>, %arg5: memref<64x10000xf32, #tpu.memory_space<vmem>>) attributes {dimension_semantics = [#tpu.dimension_semantics<arbitrary>], iteration_bounds = array<i64: 1>, scalar_prefetch = 0 : i64, scratch_operands = 0 : i64, tpu.core_type = #tpu.core_type<tc>, window_params = [{pipeline_mode = #tpu.pipeline_mode<synchronous>, transform_indices = @transform_0, window_bounds = array<i64: 10000, 128>}, {pipeline_mode = #tpu.pipeline_mode<synchronous>, transform_indices = @transform_1, window_bounds = array<i64: 128, 64>}, {pipeline_mode = #tpu.pipeline_mode<synchronous>, transform_indices = @transform_2, window_bounds = array<i64: 1, 64>}, {pipeline_mode = #tpu.pipeline_mode<synchronous>, transform_indices = @transform_3, window_bounds = array<i64: 10000, 64>}, {pipeline_mode = #tpu.pipeline_mode<synchronous>, transform_indices = @transform_4, window_bounds = array<i64: 64, 10000>}]} {
    %get3A = arith.constant 0 : index
    %get3A_0 = arith.constant 0 : index
    %get3A_1 = vector.load %arg1[%get3A, %get3A_0] : memref<10000x128xf32, #tpu.memory_space<vmem>>, vector<10000x128xf32>
    %get3A_2 = arith.constant 0 : index
    %get3A_3 = arith.constant 0 : index
    %get3A_4 = vector.load %arg2[%get3A_2, %get3A_3] : memref<128x64xf32, #tpu.memory_space<vmem>>, vector<128x64xf32>
    %dot_general3A = arith.constant dense<0.000000e+00> : vector<10000x64xf32>
    %dot_general3A_5 = tpu.matmul %get3A_1, %get3A_4, %dot_general3A {dimension_numbers = #tpu.dot_dimension_numbers<[1], [0], [0], [1], [0, 0, 1, 1], [], []>, transpose_lhs_hint = false} : vector<10000x128xf32>, vector<128x64xf32>, vector<10000x64xf32> -> vector<10000x64xf32>
    %get3A_6 = arith.constant 0 : index
    %get3A_7 = arith.constant 0 : index
    %get3A_8 = vector.load %arg3[%get3A_6, %get3A_7] : memref<1x64xf32, #tpu.memory_space<vmem>>, vector<1x64xf32>
    %add3A = vector.broadcast %get3A_8 : vector<1x64xf32> to vector<10000x64xf32>
    %add3A_9 = arith.addf %dot_general3A_5, %add3A : vector<10000x64xf32>
    %max3A = arith.constant 0.000000e+00 : f32
    %max3A_10 = vector.broadcast %max3A : f32 to vector<10000x64xf32>
    %max3A_11 = arith.maximumf %add3A_9, %max3A_10 : vector<10000x64xf32>
    %swap3A = arith.constant 0 : index
    %swap3A_12 = arith.constant 0 : index
    %swap3A_13 = vector.load %arg4[%swap3A, %swap3A_12] : memref<10000x64xf32, #tpu.memory_space<vmem>>, vector<10000x64xf32>
    tpu.vector_store %arg4[%swap3A, %swap3A_12], %max3A_11 {strides = array<i32>} : memref<10000x64xf32, #tpu.memory_space<vmem>>, vector<10000x64xf32>,
    %transpose3A = tpu.transpose %max3A_11, [1, 0] : vector<10000x64xf32> -> vector<64x10000xf32>
    %swap3A_14 = arith.constant 0 : index
    %swap3A_15 = arith.constant 0 : index
    %swap3A_16 = vector.load %arg5[%swap3A_14, %swap3A_15] : memref<64x10000xf32, #tpu.memory_space<vmem>>, vector<64x10000xf32>
    tpu.vector_store %arg5[%swap3A_14, %swap3A_15], %transpose3A {strides = array<i32>} : memref<64x10000xf32, #tpu.memory_space<vmem>>, vector<64x10000xf32>,
    return
  }
  func.func @transform_0(%arg0: i32) -> (i32, i32) {
    %c0_i32 = arith.constant 0 : i32
    %c0_i32_0 = arith.constant 0 : i32
    %c0_i32_1 = arith.constant 0 : i32
    return %c0_i32, %c0_i32_0 : i32, i32
  }
  func.func @transform_1(%arg0: i32) -> (i32, i32) {
    %c0_i32 = arith.constant 0 : i32
    %c0_i32_0 = arith.constant 0 : i32
    %c0_i32_1 = arith.constant 0 : i32
    return %c0_i32, %c0_i32_0 : i32, i32
  }
  func.func @transform_2(%arg0: i32) -> (i32, i32) {
    %c0_i32 = arith.constant 0 : i32
    %c0_i32_0 = arith.constant 0 : i32
    %c0_i32_1 = arith.constant 0 : i32
    return %c0_i32, %c0_i32_0 : i32, i32
  }
  func.func @transform_3(%arg0: i32) -> (i32, i32) {
    %c0_i32 = arith.constant 0 : i32
    %c0_i32_0 = arith.constant 0 : i32
    %c0_i32_1 = arith.constant 0 : i32
    return %c0_i32, %c0_i32_0 : i32, i32
  }
  func.func @transform_4(%arg0: i32) -> (i32, i32) {
    %c0_i32 = arith.constant 0 : i32
    %c0_i32_0 = arith.constant 0 : i32
    %c0_i32_1 = arith.constant 0 : i32
    return %c0_i32, %c0_i32_0 : i32, i32
  }
}

module attributes {stable_mosaic.version = 14 : i64} {
  func.func @_layer_body(%arg0: i32, %arg1: memref<2x64x10112xf32, #tpu.memory_space<vmem>>, %arg2: memref<10000x64xf32, #tpu.memory_space<vmem>>, %arg3: memref<64x64xf32, #tpu.memory_space<vmem>>, %arg4: memref<1x1xf32, #tpu.memory_space<vmem>>, %arg5: memref<10000x64xf32, #tpu.memory_space<vmem>>, %arg6: memref<64x10000xf32, #tpu.memory_space<vmem>>) attributes {dimension_semantics = [#tpu.dimension_semantics<arbitrary>], iteration_bounds = array<i64: 1>, scalar_prefetch = 0 : i64, scratch_operands = 0 : i64, tpu.core_type = #tpu.core_type<tc>, window_params = [{pipeline_mode = #tpu.pipeline_mode<synchronous>, transform_indices = @transform_0, window_bounds = array<i64: 2, 64, 10112>}, {pipeline_mode = #tpu.pipeline_mode<synchronous>, transform_indices = @transform_1, window_bounds = array<i64: 10000, 64>}, {pipeline_mode = #tpu.pipeline_mode<synchronous>, transform_indices = @transform_2, window_bounds = array<i64: 64, 64>}, {pipeline_mode = #tpu.pipeline_mode<synchronous>, transform_indices = @transform_3, window_bounds = array<i64: 1, 1>}, {pipeline_mode = #tpu.pipeline_mode<synchronous>, transform_indices = @transform_4, window_bounds = array<i64: 10000, 64>}, {pipeline_mode = #tpu.pipeline_mode<synchronous>, transform_indices = @transform_5, window_bounds = array<i64: 64, 10000>}]} {
    %get3A = arith.constant 0 : index
    %get3A_0 = arith.constant 0 : index
    %get3A_1 = arith.constant 0 : index
    %get3A_2 = vector.load %arg1[%get3A, %get3A_0, %get3A_1] : memref<2x64x10112xf32, #tpu.memory_space<vmem>>, vector<2x64x10000xf32>
    %slice3A = vector.extract_strided_slice %get3A_2 {offsets = [0, 0, 0], sizes = [1, 64, 10000], strides = [1, 1, 1]} : vector<2x64x10000xf32> to vector<1x64x10000xf32>
    %squeeze3A = vector.shape_cast %slice3A : vector<1x64x10000xf32> to vector<64x10000xf32>
    %slice3A_3 = vector.extract_strided_slice %get3A_2 {offsets = [1, 0, 0], sizes = [1, 64, 10000], strides = [1, 1, 1]} : vector<2x64x10000xf32> to vector<1x64x10000xf32>
    %squeeze3A_4 = vector.shape_cast %slice3A_3 : vector<1x64x10000xf32> to vector<64x10000xf32>
    %add3A = arith.addf %squeeze3A, %squeeze3A_4 : vector<64x10000xf32>
    %transpose3A = tpu.transpose %add3A, [1, 0] : vector<64x10000xf32> -> vector<10000x64xf32>
    %get3A_5 = arith.constant 0 : index
    %get3A_6 = arith.constant 0 : index
    %get3A_7 = vector.load %arg4[%get3A_5, %get3A_6] : memref<1x1xf32, #tpu.memory_space<vmem>>, vector<1x1xf32>
    %get3A_8 = vector.extract %get3A_7[0, 0] : f32 from vector<1x1xf32>
    %mul3A = arith.constant 0.899999976 : f32
    %mul3A_9 = vector.broadcast %mul3A : f32 to vector<10000x64xf32>
    %mul3A_10 = arith.mulf %mul3A_9, %transpose3A : vector<10000x64xf32>
    %get3A_11 = arith.constant 0 : index
    %get3A_12 = arith.constant 0 : index
    %get3A_13 = vector.load %arg2[%get3A_11, %get3A_12] : memref<10000x64xf32, #tpu.memory_space<vmem>>, vector<10000x64xf32>
    %mul3A_14 = arith.constant 1.000000e-01 : f32
    %mul3A_15 = vector.broadcast %mul3A_14 : f32 to vector<10000x64xf32>
    %mul3A_16 = arith.mulf %mul3A_15, %get3A_13 : vector<10000x64xf32>
    %add3A_17 = arith.addf %mul3A_10, %mul3A_16 : vector<10000x64xf32>
    %sub3A = arith.constant 1.000000e+00 : f32
    %sub3A_18 = arith.subf %sub3A, %get3A_8 : f32
    %mul3A_19 = vector.broadcast %sub3A_18 : f32 to vector<10000x64xf32>
    %mul3A_20 = arith.mulf %mul3A_19, %add3A_17 : vector<10000x64xf32>
    %get3A_21 = arith.constant 0 : index
    %get3A_22 = arith.constant 0 : index
    %get3A_23 = vector.load %arg3[%get3A_21, %get3A_22] : memref<64x64xf32, #tpu.memory_space<vmem>>, vector<64x64xf32>
    %dot_general3A = arith.constant dense<0.000000e+00> : vector<10000x64xf32>
    %dot_general3A_24 = tpu.matmul %add3A_17, %get3A_23, %dot_general3A {dimension_numbers = #tpu.dot_dimension_numbers<[1], [0], [0], [1], [0, 0, 1, 1], [], []>, transpose_lhs_hint = false} : vector<10000x64xf32>, vector<64x64xf32>, vector<10000x64xf32> -> vector<10000x64xf32>
    %mul3A_25 = vector.broadcast %get3A_8 : f32 to vector<10000x64xf32>
    %mul3A_26 = arith.mulf %mul3A_25, %dot_general3A_24 : vector<10000x64xf32>
    %add3A_27 = arith.addf %mul3A_20, %mul3A_26 : vector<10000x64xf32>
    %max3A = arith.constant 0.000000e+00 : f32
    %max3A_28 = vector.broadcast %max3A : f32 to vector<10000x64xf32>
    %max3A_29 = arith.maximumf %add3A_27, %max3A_28 : vector<10000x64xf32>
    %swap3A = arith.constant 0 : index
    %swap3A_30 = arith.constant 0 : index
    %swap3A_31 = vector.load %arg5[%swap3A, %swap3A_30] : memref<10000x64xf32, #tpu.memory_space<vmem>>, vector<10000x64xf32>
    tpu.vector_store %arg5[%swap3A, %swap3A_30], %max3A_29 {strides = array<i32>} : memref<10000x64xf32, #tpu.memory_space<vmem>>, vector<10000x64xf32>,
    %transpose3A_32 = tpu.transpose %max3A_29, [1, 0] : vector<10000x64xf32> -> vector<64x10000xf32>
    %swap3A_33 = arith.constant 0 : index
    %swap3A_34 = arith.constant 0 : index
    %swap3A_35 = vector.load %arg6[%swap3A_33, %swap3A_34] : memref<64x10000xf32, #tpu.memory_space<vmem>>, vector<64x10000xf32>
    tpu.vector_store %arg6[%swap3A_33, %swap3A_34], %transpose3A_32 {strides = array<i32>} : memref<64x10000xf32, #tpu.memory_space<vmem>>, vector<64x10000xf32>,
    return
  }
  func.func @transform_0(%arg0: i32) -> (i32, i32, i32) {
    %c0_i32 = arith.constant 0 : i32
    %c0_i32_0 = arith.constant 0 : i32
    %c0_i32_1 = arith.constant 0 : i32
    %c0_i32_2 = arith.constant 0 : i32
    return %c0_i32, %c0_i32_0, %c0_i32_1 : i32, i32, i32
  }
  func.func @transform_1(%arg0: i32) -> (i32, i32) {
    %c0_i32 = arith.constant 0 : i32
    %c0_i32_0 = arith.constant 0 : i32
    %c0_i32_1 = arith.constant 0 : i32
    return %c0_i32, %c0_i32_0 : i32, i32
  }
  func.func @transform_2(%arg0: i32) -> (i32, i32) {
    %c0_i32 = arith.constant 0 : i32
    %c0_i32_0 = arith.constant 0 : i32
    %c0_i32_1 = arith.constant 0 : i32
    return %c0_i32, %c0_i32_0 : i32, i32
  }
  func.func @transform_3(%arg0: i32) -> (i32, i32) {
    %c0_i32 = arith.constant 0 : i32
    %c0_i32_0 = arith.constant 0 : i32
    %c0_i32_1 = arith.constant 0 : i32
    return %c0_i32, %c0_i32_0 : i32, i32
  }
  func.func @transform_4(%arg0: i32) -> (i32, i32) {
    %c0_i32 = arith.constant 0 : i32
    %c0_i32_0 = arith.constant 0 : i32
    %c0_i32_1 = arith.constant 0 : i32
    return %c0_i32, %c0_i32_0 : i32, i32
  }
  func.func @transform_5(%arg0: i32) -> (i32, i32) {
    %c0_i32 = arith.constant 0 : i32
    %c0_i32_0 = arith.constant 0 : i32
    %c0_i32_1 = arith.constant 0 : i32
    return %c0_i32, %c0_i32_0 : i32, i32
  }
}

module attributes {stable_mosaic.version = 14 : i64} {
  func.func @_tail_body(%arg0: i32, %arg1: memref<400x64xf32, #tpu.memory_space<vmem>>, %arg2: memref<3x64x64xf32, #tpu.memory_space<vmem>>, %arg3: memref<3x64xf32, #tpu.memory_space<vmem>>, %arg4: memref<3x64x64xf32, #tpu.memory_space<vmem>>, %arg5: memref<3x64xf32, #tpu.memory_space<vmem>>, %arg6: memref<64x2560xf32, #tpu.memory_space<vmem>>, %arg7: memref<64x2560xf32, #tpu.memory_space<vmem>>, %arg8: memref<2560x40xf32, #tpu.memory_space<vmem>>, %arg9: memref<1x40xf32, #tpu.memory_space<vmem>>, %arg10: memref<400x40xf32, #tpu.memory_space<vmem>>) attributes {dimension_semantics = [#tpu.dimension_semantics<arbitrary>], iteration_bounds = array<i64: 25>, scalar_prefetch = 0 : i64, scratch_operands = 0 : i64, tpu.core_type = #tpu.core_type<tc>, window_params = [{transform_indices = @transform_0, window_bounds = array<i64: 400, 64>}, {pipeline_mode = #tpu.pipeline_mode<synchronous>, transform_indices = @transform_1, window_bounds = array<i64: 3, 64, 64>}, {pipeline_mode = #tpu.pipeline_mode<synchronous>, transform_indices = @transform_2, window_bounds = array<i64: 3, 64>}, {pipeline_mode = #tpu.pipeline_mode<synchronous>, transform_indices = @transform_3, window_bounds = array<i64: 3, 64, 64>}, {pipeline_mode = #tpu.pipeline_mode<synchronous>, transform_indices = @transform_4, window_bounds = array<i64: 3, 64>}, {pipeline_mode = #tpu.pipeline_mode<synchronous>, transform_indices = @transform_5, window_bounds = array<i64: 64, 2560>}, {pipeline_mode = #tpu.pipeline_mode<synchronous>, transform_indices = @transform_6, window_bounds = array<i64: 64, 2560>}, {pipeline_mode = #tpu.pipeline_mode<synchronous>, transform_indices = @transform_7, window_bounds = array<i64: 2560, 40>}, {pipeline_mode = #tpu.pipeline_mode<synchronous>, transform_indices = @transform_8, window_bounds = array<i64: 1, 40>}, {transform_indices = @transform_9, window_bounds = array<i64: 400, 40>}]} {
    %get3A = arith.constant 0 : index
    %get3A_0 = arith.constant 0 : index
    %get3A_1 = vector.load %arg1[%get3A, %get3A_0] : memref<400x64xf32, #tpu.memory_space<vmem>>, vector<400x64xf32>
    %get3A_2 = arith.constant 0 : index
    %get3A_3 = arith.constant 0 : index
    %get3A_4 = arith.constant 0 : index
    %get3A_5 = vector.load %arg2[%get3A_2, %get3A_3, %get3A_4] : memref<3x64x64xf32, #tpu.memory_space<vmem>>, vector<1x64x64xf32>
    %get3A_6 = vector.shape_cast %get3A_5 : vector<1x64x64xf32> to vector<64x64xf32>
    %dot_general3A = arith.constant dense<0.000000e+00> : vector<400x64xf32>
    %dot_general3A_7 = tpu.matmul %get3A_1, %get3A_6, %dot_general3A {dimension_numbers = #tpu.dot_dimension_numbers<[1], [0], [0], [1], [0, 0, 1, 1], [], []>, transpose_lhs_hint = false} : vector<400x64xf32>, vector<64x64xf32>, vector<400x64xf32> -> vector<400x64xf32>
    %get3A_8 = arith.constant 0 : index
    %get3A_9 = arith.constant 0 : index
    %get3A_10 = vector.load %arg3[%get3A_8, %get3A_9] : memref<3x64xf32, #tpu.memory_space<vmem>>, vector<1x64xf32>
    %get3A_11 = vector.shape_cast %get3A_10 : vector<1x64xf32> to vector<64xf32>
    %broadcast_in_dim3A = vector.shape_cast %get3A_11 : vector<64xf32> to vector<1x64xf32>
    %add3A = vector.broadcast %broadcast_in_dim3A : vector<1x64xf32> to vector<400x64xf32>
    %add3A_12 = arith.addf %dot_general3A_7, %add3A : vector<400x64xf32>
    %get3A_13 = arith.constant 0 : index
    %get3A_14 = arith.constant 0 : index
    %get3A_15 = arith.constant 0 : index
    %get3A_16 = vector.load %arg4[%get3A_13, %get3A_14, %get3A_15] : memref<3x64x64xf32, #tpu.memory_space<vmem>>, vector<1x64x64xf32>
    %get3A_17 = vector.shape_cast %get3A_16 : vector<1x64x64xf32> to vector<64x64xf32>
    %dot_general3A_18 = arith.constant dense<0.000000e+00> : vector<400x64xf32>
    %dot_general3A_19 = tpu.matmul %get3A_1, %get3A_17, %dot_general3A_18 {dimension_numbers = #tpu.dot_dimension_numbers<[1], [0], [0], [1], [0, 0, 1, 1], [], []>, transpose_lhs_hint = false} : vector<400x64xf32>, vector<64x64xf32>, vector<400x64xf32> -> vector<400x64xf32>
    %get3A_20 = arith.constant 0 : index
    %get3A_21 = arith.constant 0 : index
    %get3A_22 = vector.load %arg5[%get3A_20, %get3A_21] : memref<3x64xf32, #tpu.memory_space<vmem>>, vector<1x64xf32>
    %get3A_23 = vector.shape_cast %get3A_22 : vector<1x64xf32> to vector<64xf32>
    %broadcast_in_dim3A_24 = vector.shape_cast %get3A_23 : vector<64xf32> to vector<1x64xf32>
    %add3A_25 = vector.broadcast %broadcast_in_dim3A_24 : vector<1x64xf32> to vector<400x64xf32>
    %add3A_26 = arith.addf %dot_general3A_19, %add3A_25 : vector<400x64xf32>
    %get3A_27 = arith.constant 0 : index
    %get3A_28 = arith.constant 0 : index
    %get3A_29 = vector.load %arg6[%get3A_27, %get3A_28] : memref<64x2560xf32, #tpu.memory_space<vmem>>, vector<64x2560xf32>
    %dot_general3A_30 = arith.constant dense<0.000000e+00> : vector<400x2560xf32>
    %dot_general3A_31 = tpu.matmul %add3A_26, %get3A_29, %dot_general3A_30 {dimension_numbers = #tpu.dot_dimension_numbers<[1], [0], [0], [1], [0, 0, 1, 1], [], []>, transpose_lhs_hint = false} : vector<400x64xf32>, vector<64x2560xf32>, vector<400x2560xf32> -> vector<400x2560xf32>
    %get3A_32 = arith.constant 0 : index
    %get3A_33 = arith.constant 0 : index
    %get3A_34 = vector.load %arg7[%get3A_32, %get3A_33] : memref<64x2560xf32, #tpu.memory_space<vmem>>, vector<64x2560xf32>
    %dot_general3A_35 = arith.constant dense<0.000000e+00> : vector<400x2560xf32>
    %dot_general3A_36 = tpu.matmul %add3A_12, %get3A_34, %dot_general3A_35 {dimension_numbers = #tpu.dot_dimension_numbers<[1], [0], [0], [1], [0, 0, 1, 1], [], []>, transpose_lhs_hint = false} : vector<400x64xf32>, vector<64x2560xf32>, vector<400x2560xf32> -> vector<400x2560xf32>
    %mul3A = arith.mulf %dot_general3A_36, %dot_general3A_31 : vector<400x2560xf32>
    %get3A_37 = arith.constant 0 : index
    %get3A_38 = arith.constant 0 : index
    %get3A_39 = vector.load %arg8[%get3A_37, %get3A_38] : memref<2560x40xf32, #tpu.memory_space<vmem>>, vector<2560x40xf32>
    %dot_general3A_40 = arith.constant dense<0.000000e+00> : vector<400x40xf32>
    %dot_general3A_41 = tpu.matmul %mul3A, %get3A_39, %dot_general3A_40 {dimension_numbers = #tpu.dot_dimension_numbers<[1], [0], [0], [1], [0, 0, 1, 1], [], []>, transpose_lhs_hint = false} : vector<400x2560xf32>, vector<2560x40xf32>, vector<400x40xf32> -> vector<400x40xf32>
    %get3A_42 = arith.constant 1 : index
    %get3A_43 = arith.constant 0 : index
    %get3A_44 = arith.constant 0 : index
    %get3A_45 = vector.load %arg2[%get3A_42, %get3A_43, %get3A_44] : memref<3x64x64xf32, #tpu.memory_space<vmem>>, vector<1x64x64xf32>
    %get3A_46 = vector.shape_cast %get3A_45 : vector<1x64x64xf32> to vector<64x64xf32>
    %dot_general3A_47 = arith.constant dense<0.000000e+00> : vector<400x64xf32>
    %dot_general3A_48 = tpu.matmul %get3A_1, %get3A_46, %dot_general3A_47 {dimension_numbers = #tpu.dot_dimension_numbers<[1], [0], [0], [1], [0, 0, 1, 1], [], []>, transpose_lhs_hint = false} : vector<400x64xf32>, vector<64x64xf32>, vector<400x64xf32> -> vector<400x64xf32>
    %get3A_49 = arith.constant 1 : index
    %get3A_50 = arith.constant 0 : index
    %get3A_51 = vector.load %arg3[%get3A_49, %get3A_50] : memref<3x64xf32, #tpu.memory_space<vmem>>, vector<1x64xf32>
    %get3A_52 = vector.shape_cast %get3A_51 : vector<1x64xf32> to vector<64xf32>
    %broadcast_in_dim3A_53 = vector.shape_cast %get3A_52 : vector<64xf32> to vector<1x64xf32>
    %add3A_54 = vector.broadcast %broadcast_in_dim3A_53 : vector<1x64xf32> to vector<400x64xf32>
    %add3A_55 = arith.addf %dot_general3A_48, %add3A_54 : vector<400x64xf32>
    %get3A_56 = arith.constant 1 : index
    %get3A_57 = arith.constant 0 : index
    %get3A_58 = arith.constant 0 : index
    %get3A_59 = vector.load %arg4[%get3A_56, %get3A_57, %get3A_58] : memref<3x64x64xf32, #tpu.memory_space<vmem>>, vector<1x64x64xf32>
    %get3A_60 = vector.shape_cast %get3A_59 : vector<1x64x64xf32> to vector<64x64xf32>
    %dot_general3A_61 = arith.constant dense<0.000000e+00> : vector<400x64xf32>
    %dot_general3A_62 = tpu.matmul %get3A_1, %get3A_60, %dot_general3A_61 {dimension_numbers = #tpu.dot_dimension_numbers<[1], [0], [0], [1], [0, 0, 1, 1], [], []>, transpose_lhs_hint = false} : vector<400x64xf32>, vector<64x64xf32>, vector<400x64xf32> -> vector<400x64xf32>
    %get3A_63 = arith.constant 1 : index
    %get3A_64 = arith.constant 0 : index
    %get3A_65 = vector.load %arg5[%get3A_63, %get3A_64] : memref<3x64xf32, #tpu.memory_space<vmem>>, vector<1x64xf32>
    %get3A_66 = vector.shape_cast %get3A_65 : vector<1x64xf32> to vector<64xf32>
    %broadcast_in_dim3A_67 = vector.shape_cast %get3A_66 : vector<64xf32> to vector<1x64xf32>
    %add3A_68 = vector.broadcast %broadcast_in_dim3A_67 : vector<1x64xf32> to vector<400x64xf32>
    %add3A_69 = arith.addf %dot_general3A_62, %add3A_68 : vector<400x64xf32>
    %get3A_70 = arith.constant 0 : index
    %get3A_71 = arith.constant 0 : index
    %get3A_72 = vector.load %arg6[%get3A_70, %get3A_71] : memref<64x2560xf32, #tpu.memory_space<vmem>>, vector<64x2560xf32>
    %dot_general3A_73 = arith.constant dense<0.000000e+00> : vector<400x2560xf32>
    %dot_general3A_74 = tpu.matmul %add3A_69, %get3A_72, %dot_general3A_73 {dimension_numbers = #tpu.dot_dimension_numbers<[1], [0], [0], [1], [0, 0, 1, 1], [], []>, transpose_lhs_hint = false} : vector<400x64xf32>, vector<64x2560xf32>, vector<400x2560xf32> -> vector<400x2560xf32>
    %get3A_75 = arith.constant 0 : index
    %get3A_76 = arith.constant 0 : index
    %get3A_77 = vector.load %arg7[%get3A_75, %get3A_76] : memref<64x2560xf32, #tpu.memory_space<vmem>>, vector<64x2560xf32>
    %dot_general3A_78 = arith.constant dense<0.000000e+00> : vector<400x2560xf32>
    %dot_general3A_79 = tpu.matmul %add3A_55, %get3A_77, %dot_general3A_78 {dimension_numbers = #tpu.dot_dimension_numbers<[1], [0], [0], [1], [0, 0, 1, 1], [], []>, transpose_lhs_hint = false} : vector<400x64xf32>, vector<64x2560xf32>, vector<400x2560xf32> -> vector<400x2560xf32>
    %mul3A_80 = arith.mulf %dot_general3A_79, %dot_general3A_74 : vector<400x2560xf32>
    %get3A_81 = arith.constant 0 : index
    %get3A_82 = arith.constant 0 : index
    %get3A_83 = vector.load %arg8[%get3A_81, %get3A_82] : memref<2560x40xf32, #tpu.memory_space<vmem>>, vector<2560x40xf32>
    %dot_general3A_84 = arith.constant dense<0.000000e+00> : vector<400x40xf32>
    %dot_general3A_85 = tpu.matmul %mul3A_80, %get3A_83, %dot_general3A_84 {dimension_numbers = #tpu.dot_dimension_numbers<[1], [0], [0], [1], [0, 0, 1, 1], [], []>, transpose_lhs_hint = false} : vector<400x2560xf32>, vector<2560x40xf32>, vector<400x40xf32> -> vector<400x40xf32>
    %add3A_86 = arith.addf %dot_general3A_41, %dot_general3A_85 : vector<400x40xf32>
    %get3A_87 = arith.constant 2 : index
    %get3A_88 = arith.constant 0 : index
    %get3A_89 = arith.constant 0 : index
    %get3A_90 = vector.load %arg2[%get3A_87, %get3A_88, %get3A_89] : memref<3x64x64xf32, #tpu.memory_space<vmem>>, vector<1x64x64xf32>
    %get3A_91 = vector.shape_cast %get3A_90 : vector<1x64x64xf32> to vector<64x64xf32>
    %dot_general3A_92 = arith.constant dense<0.000000e+00> : vector<400x64xf32>
    %dot_general3A_93 = tpu.matmul %get3A_1, %get3A_91, %dot_general3A_92 {dimension_numbers = #tpu.dot_dimension_numbers<[1], [0], [0], [1], [0, 0, 1, 1], [], []>, transpose_lhs_hint = false} : vector<400x64xf32>, vector<64x64xf32>, vector<400x64xf32> -> vector<400x64xf32>
    %get3A_94 = arith.constant 2 : index
    %get3A_95 = arith.constant 0 : index
    %get3A_96 = vector.load %arg3[%get3A_94, %get3A_95] : memref<3x64xf32, #tpu.memory_space<vmem>>, vector<1x64xf32>
    %get3A_97 = vector.shape_cast %get3A_96 : vector<1x64xf32> to vector<64xf32>
    %broadcast_in_dim3A_98 = vector.shape_cast %get3A_97 : vector<64xf32> to vector<1x64xf32>
    %add3A_99 = vector.broadcast %broadcast_in_dim3A_98 : vector<1x64xf32> to vector<400x64xf32>
    %add3A_100 = arith.addf %dot_general3A_93, %add3A_99 : vector<400x64xf32>
    %get3A_101 = arith.constant 2 : index
    %get3A_102 = arith.constant 0 : index
    %get3A_103 = arith.constant 0 : index
    %get3A_104 = vector.load %arg4[%get3A_101, %get3A_102, %get3A_103] : memref<3x64x64xf32, #tpu.memory_space<vmem>>, vector<1x64x64xf32>
    %get3A_105 = vector.shape_cast %get3A_104 : vector<1x64x64xf32> to vector<64x64xf32>
    %dot_general3A_106 = arith.constant dense<0.000000e+00> : vector<400x64xf32>
    %dot_general3A_107 = tpu.matmul %get3A_1, %get3A_105, %dot_general3A_106 {dimension_numbers = #tpu.dot_dimension_numbers<[1], [0], [0], [1], [0, 0, 1, 1], [], []>, transpose_lhs_hint = false} : vector<400x64xf32>, vector<64x64xf32>, vector<400x64xf32> -> vector<400x64xf32>
    %get3A_108 = arith.constant 2 : index
    %get3A_109 = arith.constant 0 : index
    %get3A_110 = vector.load %arg5[%get3A_108, %get3A_109] : memref<3x64xf32, #tpu.memory_space<vmem>>, vector<1x64xf32>
    %get3A_111 = vector.shape_cast %get3A_110 : vector<1x64xf32> to vector<64xf32>
    %broadcast_in_dim3A_112 = vector.shape_cast %get3A_111 : vector<64xf32> to vector<1x64xf32>
    %add3A_113 = vector.broadcast %broadcast_in_dim3A_112 : vector<1x64xf32> to vector<400x64xf32>
    %add3A_114 = arith.addf %dot_general3A_107, %add3A_113 : vector<400x64xf32>
    %get3A_115 = arith.constant 0 : index
    %get3A_116 = arith.constant 0 : index
    %get3A_117 = vector.load %arg6[%get3A_115, %get3A_116] : memref<64x2560xf32, #tpu.memory_space<vmem>>, vector<64x2560xf32>
    %dot_general3A_118 = arith.constant dense<0.000000e+00> : vector<400x2560xf32>
    %dot_general3A_119 = tpu.matmul %add3A_114, %get3A_117, %dot_general3A_118 {dimension_numbers = #tpu.dot_dimension_numbers<[1], [0], [0], [1], [0, 0, 1, 1], [], []>, transpose_lhs_hint = false} : vector<400x64xf32>, vector<64x2560xf32>, vector<400x2560xf32> -> vector<400x2560xf32>
    %get3A_120 = arith.constant 0 : index
    %get3A_121 = arith.constant 0 : index
    %get3A_122 = vector.load %arg7[%get3A_120, %get3A_121] : memref<64x2560xf32, #tpu.memory_space<vmem>>, vector<64x2560xf32>
    %dot_general3A_123 = arith.constant dense<0.000000e+00> : vector<400x2560xf32>
    %dot_general3A_124 = tpu.matmul %add3A_100, %get3A_122, %dot_general3A_123 {dimension_numbers = #tpu.dot_dimension_numbers<[1], [0], [0], [1], [0, 0, 1, 1], [], []>, transpose_lhs_hint = false} : vector<400x64xf32>, vector<64x2560xf32>, vector<400x2560xf32> -> vector<400x2560xf32>
    %mul3A_125 = arith.mulf %dot_general3A_124, %dot_general3A_119 : vector<400x2560xf32>
    %get3A_126 = arith.constant 0 : index
    %get3A_127 = arith.constant 0 : index
    %get3A_128 = vector.load %arg8[%get3A_126, %get3A_127] : memref<2560x40xf32, #tpu.memory_space<vmem>>, vector<2560x40xf32>
    %dot_general3A_129 = arith.constant dense<0.000000e+00> : vector<400x40xf32>
    %dot_general3A_130 = tpu.matmul %mul3A_125, %get3A_128, %dot_general3A_129 {dimension_numbers = #tpu.dot_dimension_numbers<[1], [0], [0], [1], [0, 0, 1, 1], [], []>, transpose_lhs_hint = false} : vector<400x2560xf32>, vector<2560x40xf32>, vector<400x40xf32> -> vector<400x40xf32>
    %add3A_131 = arith.addf %add3A_86, %dot_general3A_130 : vector<400x40xf32>
    %get3A_132 = arith.constant 0 : index
    %get3A_133 = arith.constant 0 : index
    %get3A_134 = vector.load %arg9[%get3A_132, %get3A_133] : memref<1x40xf32, #tpu.memory_space<vmem>>, vector<1x40xf32>
    %add3A_135 = vector.broadcast %get3A_134 : vector<1x40xf32> to vector<400x40xf32>
    %add3A_136 = arith.addf %add3A_131, %add3A_135 : vector<400x40xf32>
    %mul3A_137 = arith.mulf %add3A_136, %add3A_136 : vector<400x40xf32>
    %reduce_sum3A = arith.constant dense<0.000000e+00> : vector<400xf32>
    %reduce_sum3A_138 = vector.multi_reduction <add>, %mul3A_137, %reduce_sum3A [1] : vector<400x40xf32> to vector<400xf32>
    %broadcast_in_dim3A_139 = vector.shape_cast %reduce_sum3A_138 : vector<400xf32> to vector<400x1xf32>
    %sqrt3A = math.sqrt %broadcast_in_dim3A_139 : vector<400x1xf32>
    %max3A = arith.constant 1.000000e-15 : f32
    %max3A_140 = vector.broadcast %max3A : f32 to vector<400x1xf32>
    %max3A_141 = arith.maximumf %sqrt3A, %max3A_140 : vector<400x1xf32>
    %tanh3A = math.tanh %max3A_141 : vector<400x1xf32>
    %mul3A_142 = vector.broadcast %tanh3A : vector<400x1xf32> to vector<400x40xf32>
    %mul3A_143 = arith.mulf %mul3A_142, %add3A_136 : vector<400x40xf32>
    %div3A = vector.broadcast %max3A_141 : vector<400x1xf32> to vector<400x40xf32>
    %div3A_144 = arith.divf %mul3A_143, %div3A : vector<400x40xf32>
    %mul3A_145 = arith.mulf %div3A_144, %div3A_144 : vector<400x40xf32>
    %reduce_sum3A_146 = arith.constant dense<0.000000e+00> : vector<400xf32>
    %reduce_sum3A_147 = vector.multi_reduction <add>, %mul3A_145, %reduce_sum3A_146 [1] : vector<400x40xf32> to vector<400xf32>
    %broadcast_in_dim3A_148 = vector.shape_cast %reduce_sum3A_147 : vector<400xf32> to vector<400x1xf32>
    %sqrt3A_149 = math.sqrt %broadcast_in_dim3A_148 : vector<400x1xf32>
    %max3A_150 = arith.constant 1.000000e-15 : f32
    %max3A_151 = vector.broadcast %max3A_150 : f32 to vector<400x1xf32>
    %max3A_152 = arith.maximumf %sqrt3A_149, %max3A_151 : vector<400x1xf32>
    %gt3A = arith.constant 0.995999991 : f32
    %gt3A_153 = vector.broadcast %gt3A : f32 to vector<400x1xf32>
    %gt3A_154 = arith.cmpf ogt, %max3A_152, %gt3A_153 : vector<400x1xf32>
    %div3A_155 = vector.broadcast %max3A_152 : vector<400x1xf32> to vector<400x40xf32>
    %div3A_156 = arith.divf %div3A_144, %div3A_155 : vector<400x40xf32>
    %mul3A_157 = arith.constant 0.995999991 : f32
    %mul3A_158 = vector.broadcast %mul3A_157 : f32 to vector<400x40xf32>
    %mul3A_159 = arith.mulf %div3A_156, %mul3A_158 : vector<400x40xf32>
    %broadcast_in_dim3A_160 = vector.shape_cast %gt3A_154 : vector<400x1xi1> to vector<400x1xi1>
    %broadcast_in_dim3A_161 = vector.broadcast %broadcast_in_dim3A_160 : vector<400x1xi1> to vector<400x40xi1>
    %select_n3A = arith.select %broadcast_in_dim3A_161, %mul3A_159, %div3A_144 : vector<400x40xi1>, vector<400x40xf32>
    %reduce_max3A = arith.constant dense<0xFF800000> : vector<400xf32>
    %reduce_max3A_162 = vector.multi_reduction <maximumf>, %select_n3A, %reduce_max3A [1] : vector<400x40xf32> to vector<400xf32>
    %broadcast_in_dim3A_163 = vector.shape_cast %reduce_max3A_162 : vector<400xf32> to vector<400x1xf32>
    %sub3A = vector.broadcast %broadcast_in_dim3A_163 : vector<400x1xf32> to vector<400x40xf32>
    %sub3A_164 = arith.subf %select_n3A, %sub3A : vector<400x40xf32>
    %exp3A = math.exp %sub3A_164 : vector<400x40xf32>
    %reduce_sum3A_165 = arith.constant dense<0.000000e+00> : vector<400xf32>
    %reduce_sum3A_166 = vector.multi_reduction <add>, %exp3A, %reduce_sum3A_165 [1] : vector<400x40xf32> to vector<400xf32>
    %broadcast_in_dim3A_167 = vector.shape_cast %reduce_sum3A_166 : vector<400xf32> to vector<400x1xf32>
    %log3A = math.log %broadcast_in_dim3A_167 : vector<400x1xf32>
    %sub3A_168 = vector.broadcast %log3A : vector<400x1xf32> to vector<400x40xf32>
    %sub3A_169 = arith.subf %sub3A_164, %sub3A_168 : vector<400x40xf32>
    %swap3A = arith.constant 0 : index
    %swap3A_170 = arith.constant 0 : index
    %swap3A_171 = vector.load %arg10[%swap3A, %swap3A_170] : memref<400x40xf32, #tpu.memory_space<vmem>>, vector<400x40xf32>
    tpu.vector_store %arg10[%swap3A, %swap3A_170], %sub3A_169 {strides = array<i32>} : memref<400x40xf32, #tpu.memory_space<vmem>>, vector<400x40xf32>,
    return
  }
  func.func @transform_0(%arg0: i32) -> (i32, i32) {
    %c0_i32 = arith.constant 0 : i32
    %c0_i32_0 = arith.constant 0 : i32
    return %arg0, %c0_i32 : i32, i32
  }
  func.func @transform_1(%arg0: i32) -> (i32, i32, i32) {
    %c0_i32 = arith.constant 0 : i32
    %c0_i32_0 = arith.constant 0 : i32
    %c0_i32_1 = arith.constant 0 : i32
    %c0_i32_2 = arith.constant 0 : i32
    return %c0_i32, %c0_i32_0, %c0_i32_1 : i32, i32, i32
  }
  func.func @transform_2(%arg0: i32) -> (i32, i32) {
    %c0_i32 = arith.constant 0 : i32
    %c0_i32_0 = arith.constant 0 : i32
    %c0_i32_1 = arith.constant 0 : i32
    return %c0_i32, %c0_i32_0 : i32, i32
  }
  func.func @transform_3(%arg0: i32) -> (i32, i32, i32) {
    %c0_i32 = arith.constant 0 : i32
    %c0_i32_0 = arith.constant 0 : i32
    %c0_i32_1 = arith.constant 0 : i32
    %c0_i32_2 = arith.constant 0 : i32
    return %c0_i32, %c0_i32_0, %c0_i32_1 : i32, i32, i32
  }
  func.func @transform_4(%arg0: i32) -> (i32, i32) {
    %c0_i32 = arith.constant 0 : i32
    %c0_i32_0 = arith.constant 0 : i32
    %c0_i32_1 = arith.constant 0 : i32
    return %c0_i32, %c0_i32_0 : i32, i32
  }
  func.func @transform_5(%arg0: i32) -> (i32, i32) {
    %c0_i32 = arith.constant 0 : i32
    %c0_i32_0 = arith.constant 0 : i32
    %c0_i32_1 = arith.constant 0 : i32
    return %c0_i32, %c0_i32_0 : i32, i32
  }
  func.func @transform_6(%arg0: i32) -> (i32, i32) {
    %c0_i32 = arith.constant 0 : i32
    %c0_i32_0 = arith.constant 0 : i32
    %c0_i32_1 = arith.constant 0 : i32
    return %c0_i32, %c0_i32_0 : i32, i32
  }
  func.func @transform_7(%arg0: i32) -> (i32, i32) {
    %c0_i32 = arith.constant 0 : i32
    %c0_i32_0 = arith.constant 0 : i32
    %c0_i32_1 = arith.constant 0 : i32
    return %c0_i32, %c0_i32_0 : i32, i32
  }
  func.func @transform_8(%arg0: i32) -> (i32, i32) {
    %c0_i32 = arith.constant 0 : i32
    %c0_i32_0 = arith.constant 0 : i32
    %c0_i32_1 = arith.constant 0 : i32
    return %c0_i32, %c0_i32_0 : i32, i32
  }
  func.func @transform_9(%arg0: i32) -> (i32, i32) {
    %c0_i32 = arith.constant 0 : i32
    %c0_i32_0 = arith.constant 0 : i32
    return %arg0, %c0_i32 : i32, i32
  }
}

</mosaic_0001>

<sc_bundles>
// kernel: closed_call.24.cloned.1.call-start
scs
__scs_entry_jumppad:
0x0: {  	(pc) =	sbr.rel $0x88, $3  }
0x1: {  	(tag) =	ssettag $0x0;
	lr =	simm.s32 $0x1  }
0x2: {  	[smem:$0x3F96] =	sst lr;
	_ =	strace $0xD0000000  }
0x3: {  	_ = 	snop  }
0x4: {  	_ = 	snop  }
0x5: {  	_ = 	snop  }
0x6: {  	_ = 	snop  }
0x7: {  	_ = 	snop  }
__scs_overlays_trampoline_lowered:
0x8: {  	[smem:$0x3FA5] =	sst s0  }
0x9: {  	[smem:$0x3FA6] =	sst s1  }
0xa: {  	[smem:$0x3FA7] =	sst s2  }
0xb: {  	[smem:$0x3FA8] =	sst s3  }
0xc: {  	[smem:$0x3FA9] =	sst s4  }
0xd: {  	[smem:$0x3FAA] =	sst s5  }
0xe: {  	[smem:$0x3FAB] =	sst s6  }
0xf: {  	[smem:$0x3FAC] =	sst s7  }
0x10: {  	[smem:$0x3FAD] =	sst s8  }
0x11: {  	[smem:$0x3FAE] =	sst s9;
	s0 =	simm.s32 @!p0 $0x0  }
0x12: {  	s1 =	sld [smem:$0x3F94];
	s0 =	simm.s32 @p0 $0x1  }
0x13: {  	[smem:$0x3FAF] =	sst s0;
	s0 =	simm.s32 @!p1 $0x0  }
0x14: {  	s2 =	sld [smem:$0x3F93];
	s0 =	simm.s32 @p1 $0x1  }
0x15: {  	[smem:$0x3FB0] =	sst s0;
	s0 =	simm.s32 @!p2 $0x0  }
0x16: {  	s3 =	sld [smem:$0x3FDB];
	s0 =	simm.s32 @p2 $0x1  }
0x17: {  	s4 =	simm.s32 $0x1BF5;
	[smem:$0x3FB2] =	sst s0  }
0x18: {  	s0 =	sld [smem:$0x3F95];
	_ =	swait.ge [sflag:s4], $0x0  }
0x19: {  	s7 =	sld [smem:$0x3F96]  }
0x1a: {  	s8 =	sadd.s32 $0xFFFFE003, lr  }
0x1b: {  	s9 =	sadd.s32 $0xFFFFFEF7, lr;
	s5 =	simm.s32 $0xFFFFFFFF;
	p2 =	slt.u32 s8, $0xFFFFF086  }
0x1c: {  	p1 =	slt.u32 s9, $0xF7A;
	s5 =	simm.s32 @!p2 $0x0  }
0x1d: {  	s5 =	simm.s32 @p1 $0x1;
	p0 =	seq.s32 s7, s2  }
0x1e: {  	s7 =	smul.u32 @!p0 $0xF7A, s2;
	p2 =	seq.s32 @!p0 s5, $0x0  }
0x1f: {  	s9 =	smul.u32 $0xF7A, s1;
	s8 =	simm.s32 @!p0 $0x1BF5;
	p2 =	por !p2, p0  }
0x20: {  	[sflag:s8] =	ssyncset.s32 @!p0 $0xFFFFF086;
	s6 =	sadd.s32 @!p0 s3, s7;
	s7 =	simm.s32 @!p0 $0x108  }
0x21: {  	s3 =	sadd.s32 s3, s9;
	s6 =	sadd.s32 @!p0 $0x88, s6;
	s7 =	simm.s32 @p2 $0x1082  }
0x22: {  	[simem:s7], [sflag:s8] =	dma.local @!p0 [hbm:s6], $0xF7A  }
0x23: {  	s9 =	sor.u32 $0xD0000000, s2;
	s6 =	simm.s32 $0x108;
	_ =	swait.ge @!p0 [sflag:s8], $0x0  }
0x24: {  	s3 =	sadd.s32 $0x88, s3;
	s6 =	simm.s32 @!p1 $0x1082;
	[sflag:s4] =	ssyncset.s32 $0xFFFFF086  }
0x25: {  	[simem:s6], [sflag:s4] =	dma.local [hbm:s3], $0xF7A  }
0x26: {  	[smem:$0x3F96] =	sst s1;
	(tag) =	ssettag s2;
	_ =	strace s9  }
0x27: {  	s1 =	sld [smem:$0x3FA6]  }
0x28: {  	s2 =	sld [smem:$0x3FA7]  }
0x29: {  	s4 =	sld [smem:$0x3FA9]  }
0x2a: {  	p0 =	seq.s32 s5, $0x0;
	s5 =	sld [smem:$0x3FAA]  }
0x2b: {  	s6 =	sld [smem:$0x3FAB]  }
0x2c: {  	s7 =	sld [smem:$0x3FAC]  }
0x2d: {  	s3 =	simm.s32 $0x108;
	s8 =	sld [smem:$0x3FAD]  }
0x2e: {  	s3 =	simm.s32 @!p0 $0x1082;
	s9 =	sld [smem:$0x3FAE]  }
0x2f: {  	lr =	sadd.s32 s0, s3;
	s0 =	sld [smem:$0x3FA5]  }
0x30: {  	s3 =	sld [smem:$0x3FA8]  }
0x31: {  	[smem:$0x3FB1] =	sst s10  }
0x32: {  	s10 =	sld [smem:$0x3FAF];
	_ =	sdelay $0x3  }
0x33: {  	p0 =	seq.s32 s10, $0x1;
	s10 =	sld [smem:$0x3FB1];
	_ =	sdelay $0x3  }
0x34: {  	[smem:$0x3FB1] =	sst s10  }
0x35: {  	s10 =	sld [smem:$0x3FB0];
	_ =	sdelay $0x3  }
0x36: {  	p1 =	seq.s32 s10, $0x1;
	s10 =	sld [smem:$0x3FB1];
	_ =	sdelay $0x3  }
0x37: {  	[smem:$0x3FB1] =	sst s10  }
0x38: {  	s10 =	sld [smem:$0x3FB2]  }
0x39: {  	_ = 	snop;
	(pc) =	sbr.ind lr, $3  }
0x3a: {  	_ = 	snop  }
0x3b: {  	_ = 	snop  }
0x3c: {  	p2 =	seq.s32 s10, $0x1;
	s10 =	sld [smem:$0x3FB1]  }
0x3d: {  	_ =	shalt  }
0x3e: {  	_ =	shalt  }
0x3f: {  	_ =	shalt  }
0x40: {  	_ =	shalt  }
0x41: {  	_ =	shalt  }
0x42: {  	_ =	shalt  }
0x43: {  	_ =	shalt  }
0x44: {  	_ =	shalt  }
0x45: {  	_ =	shalt  }
0x46: {  	_ =	shalt  }
0x47: {  	_ =	shalt  }
0x48: {  	_ =	shalt  }
0x49: {  	_ =	shalt  }
0x4a: {  	_ =	shalt  }
0x4b: {  	_ =	shalt  }
0x4c: {  	_ =	shalt  }
0x4d: {  	_ =	shalt  }
0x4e: {  	_ =	shalt  }
0x4f: {  	_ =	shalt  }
0x50: {  	_ =	shalt  }
0x51: {  	_ =	shalt  }
0x52: {  	_ =	shalt  }
0x53: {  	_ =	shalt  }
0x54: {  	_ =	shalt  }
0x55: {  	_ =	shalt  }
0x56: {  	_ =	shalt  }
0x57: {  	_ =	shalt  }
0x58: {  	_ =	shalt  }
0x59: {  	_ =	shalt  }
0x5a: {  	_ =	shalt  }
0x5b: {  	_ =	shalt  }
0x5c: {  	_ =	shalt  }
0x5d: {  	_ =	shalt  }
0x5e: {  	_ =	shalt  }
0x5f: {  	_ =	shalt  }
0x60: {  	_ =	shalt  }
0x61: {  	_ =	shalt  }
0x62: {  	_ =	shalt  }
0x63: {  	_ =	shalt  }
0x64: {  	_ =	shalt  }
0x65: {  	_ =	shalt  }
0x66: {  	_ =	shalt  }
0x67: {  	_ =	shalt  }
0x68: {  	_ =	shalt  }
0x69: {  	_ =	shalt  }
0x6a: {  	_ =	shalt  }
0x6b: {  	_ =	shalt  }
0x6c: {  	_ =	shalt  }
0x6d: {  	_ =	shalt  }
0x6e: {  	_ =	shalt  }
0x6f: {  	_ =	shalt  }
0x70: {  	_ =	shalt  }
0x71: {  	_ =	shalt  }
0x72: {  	_ =	shalt  }
0x73: {  	_ =	shalt  }
0x74: {  	_ =	shalt  }
0x75: {  	_ =	shalt  }
0x76: {  	_ =	shalt  }
0x77: {  	_ =	shalt  }
0x78: {  	_ =	shalt  }
0x79: {  	_ =	shalt  }
0x7a: {  	_ =	shalt  }
0x7b: {  	_ =	shalt  }
0x7c: {  	_ =	shalt  }
0x7d: {  	_ =	shalt  }
0x7e: {  	_ =	shalt  }
0x7f: {  	_ =	shalt  }
0x80: {  	_ =	shalt  }
0x81: {  	_ =	shalt  }
0x82: {  	_ =	shalt  }
0x83: {  	_ =	shalt  }
0x84: {  	_ =	shalt  }
0x85: {  	_ =	shalt  }
0x86: {  	_ =	shalt  }
0x87: {  	_ =	shalt  }
.Lfunc_end0:
.L_simem_size_0:
called_computation_lowered:
.L_overlay_start_0:
0x88: {  	s2 =	sld [smem:$0x3FD9]  }
0x89: {  	s3 =	sld [smem:$0x3FFE];
	_ =	sdelay $0x1  }
0x8a: {  	s1 =	srdreg.scid  }
0x8b: {  	s0 =	sand.u32 $0x1, s1  }
0x8c: {  	s17 =	sshll.u32 s0, $0xA;
	s2 =	sadd.s32 s3, s2  }
0x8d: {  	s2 =	sadd.s32 s2, s17  }
0x8e: {  	[smem:$0x3FBD] =	sst s2  }
0x8f: {  	_ = 	snop  }
0x90: {  	s2 =	sld [smem:$0x3FD0];
	(tm) =	ssettm $0x1  }
0x91: {  	s18 =	sld [smem:$0x3FFB];
	_ =	sdelay $0x3  }
0x92: {  	_ =	strace s18  }
0x93: {  	s3 =	sld [smem:$0x3FFC];
	_ =	sdelay $0x3  }
0x94: {  	_ =	strace s3  }
0x95: {  	s3 =	sld [smem:$0x3FFD];
	_ =	sdelay $0x3  }
0x96: {  	_ =	strace s3  }
0x97: {  	_ =	strace $0x8FFFFFFF  }
0x98: {  	s19 =	sld [smem:$0x3FDB];
	_ =	sdelay $0x1  }
0x99: {  	s4 =	simm.s32 $_scs_section_size  }
0x9a: {  	s5 =	simm.s32 $_size__tile_overlayer_lowered;
	s6 =	simm.s32 $_tile_overlayer_lowered  }
0x9b: {  	s22 =	simm.s32 $0x1BFF;
	s21 =	sshll.u32 s6, $0x1;
	s3 =	sadd.s32 s4, s19  }
0x9c: {  	s7 =	simm.s32 $0x0;
	s20 =	sshll.u32 s5, $0x1;
	s5 =	sadd.s32 s21, s3  }
0x9d: {  	[timem:s7], [sflag:s22] =	dma.local [hbm:s5], s20  }
0x9e: {  	_ =	swait.ge [sflag:s22], s20  }
0x9f: {  	s4 =	ssub.s32 $0x0, s20;
	[sflag:s22] =	ssyncset.done $0x0  }
0xa0: {  	[sflag:s22] =	ssyncadd.s32 s4;
	_ =	sdelay $0x1  }
0xa1: {  	s23 =	simm.s32 $0x1B8B  }
0xa2: {  	_ =	swait.ge [sflag:s23], $0x1  }
0xa3: {  	[sflag:s23] =	ssyncset.done $0x0  }
0xa4: {  	s25 =	simm.s32 $0x1B8E;
	s24 =	sld [smem:$0x3FFE];
	[sflag:s23] =	ssyncadd.s32 $0xFFFFFFFF  }
0xa5: {  	s26 =	simm.s32 $execute0_lowered;
	[smem:$0x3FD2] =	sst s25  }
0xa6: {  	s5 =	sshll.u32 s26, $0x1;
	_ =	strace $0x80000046;
	[dreg:$0x1] =	wrdreg $0xFFFFFFFF  }
0xa7: {  	s28 =	simm.s32 $_size_execute0_lowered;
	s3 =	sadd.s32 s3, s5;
	[dreg:$0x0] =	wrdreg $0x0  }
0xa8: {  	s5 =	sshll.u32 s28, $0x1;
	[dreg:$0x2] =	wrdreg s3  }
0xa9: {  	[dreg:$0x3] =	wrdreg s5  }
0xaa: {  	[dreg:$0x4] =	wrdreg $0xC0  }
0xab: {  	_ =	task [dreg:s7], $0x5FFFF  }
0xac: {  	[dreg:$0x1] =	wrdreg $0xFFFFFFFF  }
0xad: {  	[dreg:$0x0] =	wrdreg $0x60  }
0xae: {  	[dreg:$0x2] =	wrdreg s24  }
0xaf: {  	[dreg:$0x3] =	wrdreg s2  }
0xb0: {  	[dreg:$0x4] =	wrdreg $0x9  }
0xb1: {  	_ =	task.clear_ibuf [dreg:s7], $0x5FFFF;
	_ =	strace $0x90000046  }
0xb2: {  	s29 =	simm.s32 $0x9;
	_ =	strace $0x80000048  }
0xb3: {  	_ =	swait.ge [sflag:s29], $0x1  }
0xb4: {  	[sflag:s29] =	ssyncadd.s32 $0xFFFFFFFF  }
0xb5: {  	_ =	strace $0x90000048  }
0xb6: {  	_ =	sfence  }
0xb7: {  	s30 =	sld [smem:$0x0];
	_ =	sdelay $0x2  }
0xb8: {  	s31 =	sshll.u32 s1, $0xD;
	s1 =	sshrl.u32 s1, $0x2  }
0xb9: {  	s3 =	sand.u32 $0x4000, s31;
	s1 =	sadd.s32 s1, s30  }
0xba: {  	s0 =	sor.u32 s3, s0;
	s1 =	sshll.u32 s1, $0x11  }
0xbb: {  	s0 =	sor.u32 s1, s0  }
0xbc: {  	s0 =	sadd.s32 $0x8F2B, s0  }
0xbd: {  	[sflag:s0] =	ssyncadd.remote.s32 $0x1  }
0xbe: {  	_ =	sfence.sel $0xFFFF  }
0xbf: {  	[dreg:$0x0] =	wrdreg $0xFFFFFFFF;
	(pc) =	sbr.abs _section_cstart, $3  }
0xc0: {  	[dreg:$0x1] =	wrdreg $0xFFFFFFFF  }
0xc1: {  	_ =	task.clear_ibuf [dreg:s7], $0x2FFFF;
	_ =	strace $0x9FFFFFFF  }
0xc2: {  	(tm) =	ssettm $0x7FFFFFFF  }
0xc3: {  	_ =	shalt  }
tec
execute0_lowered:
.L_overlay_start_1:
0x0: {  	(tag) =	ssettag $0x1  }
0x1: {  	s0 =	stileid.u32;
	s1 =	srdreg.scid  }
0x2: {  	s6 =	rddreg [dreg:$0x0];
	s3 =	simm.s32 $0x0;
	s14 =	simm.s32 $0x2800  }
0x3: {  	s15 =	simm.s32 $0x1;
	s16 =	simm.s32 $0x2;
	s17 =	simm.s32 $0x1400  }
0x4: {  	s18 =	simm.s32 $0x3C00;
	s19 =	simm.s32 $0xEC40;
	s20 =	simm.s32 $0x3  }
0x5: {  	s21 =	simm.s32 $0x4;
	s22 =	simm.s32 $0x0;
	s8 =	sshrl.u32 s0, $0x3  }
0x6: {  	s2 =	sshll.u32 s0, $0x1;
	s5 =	sand.u32 $0x1, s1;
	s9 =	smul.u32 $0x9E000, s8  }
0x7: {  	s1 =	rddreg [dreg:$0x2];
	s29 =	sand.u32 $0xE, s2;
	s11 =	smul.u32 $0x5000, s8  }
0x8: {  	[smem:$0x7FF] =	sst s3;
	s31 =	smul.u32 $0x500, s8;
	s4 =	sor.u32 s5, s29  }
0x9: {  	s2 =	rddreg [dreg:$0x1];
	_ =	strace $0x80000047;
	s10 =	smul.u32 $0x9E00, s4  }
0xa: {  	s5 =	ssub.s32 $0x2, s5;
	s7 =	smul.u32 $0x1388, s4;
	s4 =	sadd.s32 $0x29200, s6  }
0xb: {  	s30 =	sshrl.u32 s5, $0x1;
	s8 =	sor.u32 $0x28, s31;
	s9 =	sadd.s32 s9, s10  }
0xc: {  	s13 =	ssub.s32 s5, s30;
	s7 =	sadd.s32 s7, s6;
	s9 =	sshrl.u32 s9, $0x3  }
0xd: {  	s5 =	sadd.s32 $0x33200, s7;
	s7 =	sadd.s32 s4, s11;
	s12 =	sadd.s32 s9, s6  }
0xe: {  	s6 =	sadd.s32 s2, s11;
	s9 =	sor.u32 $0x50, s31;
	s11 =	smax.u32 s13, $0x1  }
0xf: {  	v0 =	vimm.f32 $0.0e+00;
	s13 =	simm.s32 $0x5;
	s10 =	sadd.s32 $0x46C00, s12;
	s12 =	simm.s32 $0x5000  }
.LBB2_1:
0x10: {  	s24 =	simm.s32 $0x40;
	s23 =	simm.s32 $0x0  }
.LBB2_2:
0x11: {  	p0 =	sne.s32 s24, $0x9DC0;
	[tilespmem:s23+$0x162C0] =	vst v0;
	s25 =	smov.u32 s24;
	s24 =	sadd.s32 $0x40, s24  }
.Ltmp0:
0x12: {  	[tilespmem:s23+$0x13B40] =	vst v0;
	(pc) =	sbr.rel @p0 .LBB2_2-.Ltmp0, $3  }
0x13: {  	[tilespmem:s23+$0xEC40] =	vst v0  }
0x14: {  	[tilespmem:s23+$0x113C0] =	vst v0;
	_ =	sdelay $0x1  }
0x15: {  	s23 =	sshra.s32 s25, $0x2  }
0x16: {  	[tilespmem:s23+$0x162C0] =	vst v0  }
0x17: {  	[tilespmem:s23+$0x13B40] =	vst v0  }
0x18: {  	[tilespmem:s23+$0xEC40] =	vst v0  }
0x19: {  	[tilespmem:s23+$0x113C0] =	vst v0;
	s23 =	simm.s32 $0x0  }
0x1a: {  	[tilespmem:s12], [sflag:$0x5] =	stream.linear.gather [hbm4b:s5+s23], $0x9C40, $0x38;
	[tilespmem:$0x18A40] =	vst v63  }
0x1b: {  	_ =	swait.ge [sflag:s13], $0x9C40  }
0x1c: {  	[sflag:s13] =	ssyncset.done $0x0  }
0x1d: {  	[sflag:s13] =	ssyncadd.s32 $0xFFFF63C0  }
0x1e: {  	[tilespmem:s23], [sflag:$0x1] =	stream.linear.gather [hbm4b:s6+s23], $0x1400, $0x38;
	[tilespmem:$0x18A40] =	vst v63  }
0x1f: {  	s24 =	simm.s32 $0x0  }
0x20: {  	[tilespmem:s14], [sflag:$0x2] =	stream.linear.gather [hbm4b:s7+s23], $0x1400, $0x38;
	[tilespmem:$0x18A40] =	vst v63  }
.LBB2_4:
0x21: {  	_ =	swait.ge [sflag:s15], $0x1400  }
0x22: {  	s25 =	smul.u32 $0x50, s24;
	[sflag:s15] =	ssyncset.done $0x0  }
0x23: {  	[sflag:s15] =	ssyncadd.s32 $0xFFFFEC00  }
0x24: {  	s26 =	sadd.s32 s25, s8;
	_ =	swait.ge [sflag:s16], $0x1400  }
0x25: {  	s26 =	sshll.u32 s26, $0x4;
	[sflag:s16] =	ssyncset.done $0x0  }
0x26: {  	s28 =	sadd.s32 s2, s26;
	[sflag:s16] =	ssyncadd.s32 $0xFFFFEC00  }
0x27: {  	[tilespmem:s17], [sflag:$0x3] =	stream.linear.gather [hbm4b:s28+s23], $0x1400, $0x38;
	[tilespmem:$0x18A40] =	vst v63  }
0x28: {  	s26 =	sadd.s32 s4, s26  }
0x29: {  	[tilespmem:s18], [sflag:$0x4] =	stream.linear.gather [hbm4b:s26+s23], $0x1400, $0x38;
	[tilespmem:$0x18A40] =	vst v63  }
0x2a: {  	s26 =	simm.s32 $0x0  }
.LBB2_5:
0x2b: {  	s28 =	sshra.s32 s26, $0x2  }
0x2c: {  	v1 =	vld [tilespmem:s28+$0x0]  }
0x2d: {  	v3 =	vld [tilespmem:s28+$0x10];
	_ =	sdelay $0x3  }
0x2e: {  	v2 =	vadd.s32 $0x2710, v1  }
0x2f: {  	v6 =	vld [tilespmem:s28+$0x2800];
	v4 =	vadd.s32 $0x4E20, v1  }
0x30: {  	v10 =	vld [tilespmem:s28+$0x2810];
	v5 =	vadd.s32 $0x7530, v1  }
0x31: {  	v7 =	vadd.s32 $0x2710, v3;
	v1 =	vld.idx.msk [tilespmem:v1+s12+$0x0], $0xffff  }
0x32: {  	v8 =	vadd.s32 $0x4E20, v3;
	v9 =	vadd.s32 $0x7530, v3;
	v3 =	vld.idx.msk [tilespmem:v3+s12+$0x0], $0xffff  }
0x33: {  	v2 =	vld.idx.msk [tilespmem:v2+s12+$0x0], $0xffff  }
0x34: {  	v4 =	vld.idx.msk [tilespmem:v4+s12+$0x0], $0xffff  }
0x35: {  	v11 =	vadd.s32 $0x2780, v6;
	v5 =	vld.idx.msk [tilespmem:v5+s12+$0x0], $0xffff  }
0x36: {  	v12 =	vadd.s32 $0x4F00, v6;
	v7 =	vld.idx.msk [tilespmem:v7+s12+$0x0], $0xffff  }
0x37: {  	v13 =	vadd.s32 $0x7680, v6;
	v8 =	vld.idx.msk [tilespmem:v8+s12+$0x0], $0xffff  }
0x38: {  	v9 =	vld.idx.msk [tilespmem:v9+s12+$0x0], $0xffff  }
0x39: {  	[tilespmem:v6+s19+$0x0] =	vst.idx.add.f32.msk $0xffff, v1;
	v1 =	vadd.s32 $0x2780, v10  }
0x3a: {  	[tilespmem:v11+s19+$0x0] =	vst.idx.add.f32.msk $0xffff, v2;
	v2 =	vadd.s32 $0x4F00, v10  }
0x3b: {  	v36 =	vadd.s32 $0x7680, v10;
	[tilespmem:v12+s19+$0x0] =	vst.idx.add.f32.msk $0xffff, v4  }
0x3c: {  	[tilespmem:v13+s19+$0x0] =	vst.idx.add.f32.msk $0xffff, v5  }
0x3d: {  	[tilespmem:v10+s19+$0x0] =	vst.idx.add.f32.msk $0xffff, v3  }
0x3e: {  	[tilespmem:v1+s19+$0x0] =	vst.idx.add.f32.msk $0xffff, v7  }
0x3f: {  	[tilespmem:v2+s19+$0x0] =	vst.idx.add.f32.msk $0xffff, v8  }
0x40: {  	[tilespmem:v36+s19+$0x0] =	vst.idx.add.f32.msk $0xffff, v9  }
0x41: {  	v1 =	vld [tilespmem:s28+$0x20]  }
0x42: {  	v3 =	vld [tilespmem:s28+$0x30];
	_ =	sdelay $0x3  }
0x43: {  	v2 =	vadd.s32 $0x2710, v1  }
0x44: {  	v6 =	vld [tilespmem:s28+$0x2820];
	v37 =	vadd.s32 $0x4E20, v1  }
0x45: {  	v10 =	vld [tilespmem:s28+$0x2830];
	v38 =	vadd.s32 $0x7530, v1  }
0x46: {  	v39 =	vadd.s32 $0x2710, v3;
	v1 =	vld.idx.msk [tilespmem:v1+s12+$0x0], $0xffff  }
0x47: {  	v40 =	vadd.s32 $0x4E20, v3;
	v41 =	vadd.s32 $0x7530, v3;
	v3 =	vld.idx.msk [tilespmem:v3+s12+$0x0], $0xffff  }
0x48: {  	v2 =	vld.idx.msk [tilespmem:v2+s12+$0x0], $0xffff  }
0x49: {  	v4 =	vld.idx.msk [tilespmem:v37+s12+$0x0], $0xffff  }
0x4a: {  	v42 =	vadd.s32 $0x2780, v6;
	v5 =	vld.idx.msk [tilespmem:v38+s12+$0x0], $0xffff  }
0x4b: {  	v43 =	vadd.s32 $0x4F00, v6;
	v7 =	vld.idx.msk [tilespmem:v39+s12+$0x0], $0xffff  }
0x4c: {  	v44 =	vadd.s32 $0x7680, v6;
	v8 =	vld.idx.msk [tilespmem:v40+s12+$0x0], $0xffff  }
0x4d: {  	v9 =	vld.idx.msk [tilespmem:v41+s12+$0x0], $0xffff  }
0x4e: {  	[tilespmem:v6+s19+$0x0] =	vst.idx.add.f32.msk $0xffff, v1;
	v1 =	vadd.s32 $0x2780, v10  }
0x4f: {  	[tilespmem:v42+s19+$0x0] =	vst.idx.add.f32.msk $0xffff, v2;
	v2 =	vadd.s32 $0x4F00, v10  }
0x50: {  	v45 =	vadd.s32 $0x7680, v10;
	[tilespmem:v43+s19+$0x0] =	vst.idx.add.f32.msk $0xffff, v4  }
0x51: {  	[tilespmem:v44+s19+$0x0] =	vst.idx.add.f32.msk $0xffff, v5  }
0x52: {  	[tilespmem:v10+s19+$0x0] =	vst.idx.add.f32.msk $0xffff, v3  }
0x53: {  	[tilespmem:v1+s19+$0x0] =	vst.idx.add.f32.msk $0xffff, v7  }
0x54: {  	[tilespmem:v2+s19+$0x0] =	vst.idx.add.f32.msk $0xffff, v8  }
0x55: {  	[tilespmem:v45+s19+$0x0] =	vst.idx.add.f32.msk $0xffff, v9  }
0x56: {  	v1 =	vld [tilespmem:s28+$0x40]  }
0x57: {  	v3 =	vld [tilespmem:s28+$0x50];
	_ =	sdelay $0x3  }
0x58: {  	v2 =	vadd.s32 $0x2710, v1  }
0x59: {  	v6 =	vld [tilespmem:s28+$0x2840];
	v46 =	vadd.s32 $0x4E20, v1  }
0x5a: {  	v10 =	vld [tilespmem:s28+$0x2850];
	v47 =	vadd.s32 $0x7530, v1  }
0x5b: {  	v48 =	vadd.s32 $0x2710, v3;
	v1 =	vld.idx.msk [tilespmem:v1+s12+$0x0], $0xffff  }
0x5c: {  	v49 =	vadd.s32 $0x4E20, v3;
	v50 =	vadd.s32 $0x7530, v3;
	v3 =	vld.idx.msk [tilespmem:v3+s12+$0x0], $0xffff  }
0x5d: {  	v2 =	vld.idx.msk [tilespmem:v2+s12+$0x0], $0xffff  }
0x5e: {  	v4 =	vld.idx.msk [tilespmem:v46+s12+$0x0], $0xffff  }
0x5f: {  	v51 =	vadd.s32 $0x2780, v6;
	v5 =	vld.idx.msk [tilespmem:v47+s12+$0x0], $0xffff  }
0x60: {  	v52 =	vadd.s32 $0x4F00, v6;
	v7 =	vld.idx.msk [tilespmem:v48+s12+$0x0], $0xffff  }
0x61: {  	v53 =	vadd.s32 $0x7680, v6;
	v8 =	vld.idx.msk [tilespmem:v49+s12+$0x0], $0xffff  }
0x62: {  	v9 =	vld.idx.msk [tilespmem:v50+s12+$0x0], $0xffff  }
0x63: {  	[tilespmem:v6+s19+$0x0] =	vst.idx.add.f32.msk $0xffff, v1;
	v1 =	vadd.s32 $0x2780, v10  }
0x64: {  	[tilespmem:v51+s19+$0x0] =	vst.idx.add.f32.msk $0xffff, v2;
	v2 =	vadd.s32 $0x4F00, v10  }
0x65: {  	v54 =	vadd.s32 $0x7680, v10;
	[tilespmem:v52+s19+$0x0] =	vst.idx.add.f32.msk $0xffff, v4  }
0x66: {  	[tilespmem:v53+s19+$0x0] =	vst.idx.add.f32.msk $0xffff, v5  }
0x67: {  	[tilespmem:v10+s19+$0x0] =	vst.idx.add.f32.msk $0xffff, v3  }
0x68: {  	[tilespmem:v1+s19+$0x0] =	vst.idx.add.f32.msk $0xffff, v7  }
0x69: {  	[tilespmem:v2+s19+$0x0] =	vst.idx.add.f32.msk $0xffff, v8  }
0x6a: {  	[tilespmem:v54+s19+$0x0] =	vst.idx.add.f32.msk $0xffff, v9  }
0x6b: {  	v1 =	vld [tilespmem:s28+$0x60]  }
0x6c: {  	v3 =	vld [tilespmem:s28+$0x70];
	_ =	sdelay $0x3  }
0x6d: {  	v2 =	vadd.s32 $0x2710, v1  }
0x6e: {  	v6 =	vld [tilespmem:s28+$0x2860];
	v55 =	vadd.s32 $0x4E20, v1  }
0x6f: {  	v10 =	vld [tilespmem:s28+$0x2870];
	v56 =	vadd.s32 $0x7530, v1  }
0x70: {  	v57 =	vadd.s32 $0x2710, v3;
	v1 =	vld.idx.msk [tilespmem:v1+s12+$0x0], $0xffff  }
0x71: {  	v58 =	vadd.s32 $0x4E20, v3;
	v59 =	vadd.s32 $0x7530, v3;
	v3 =	vld.idx.msk [tilespmem:v3+s12+$0x0], $0xffff  }
0x72: {  	v2 =	vld.idx.msk [tilespmem:v2+s12+$0x0], $0xffff  }
0x73: {  	v4 =	vld.idx.msk [tilespmem:v55+s12+$0x0], $0xffff  }
0x74: {  	v60 =	vadd.s32 $0x2780, v6;
	v5 =	vld.idx.msk [tilespmem:v56+s12+$0x0], $0xffff  }
0x75: {  	v61 =	vadd.s32 $0x4F00, v6;
	v7 =	vld.idx.msk [tilespmem:v57+s12+$0x0], $0xffff  }
0x76: {  	v62 =	vadd.s32 $0x7680, v6;
	v8 =	vld.idx.msk [tilespmem:v58+s12+$0x0], $0xffff  }
0x77: {  	v9 =	vld.idx.msk [tilespmem:v59+s12+$0x0], $0xffff  }
0x78: {  	[tilespmem:v6+s19+$0x0] =	vst.idx.add.f32.msk $0xffff, v1;
	v1 =	vadd.s32 $0x2780, v10  }
0x79: {  	[tilespmem:v60+s19+$0x0] =	vst.idx.add.f32.msk $0xffff, v2;
	v2 =	vadd.s32 $0x4F00, v10  }
0x7a: {  	p0 =	sne.s32 s26, $0x4E00;
	v63 =	vadd.s32 $0x7680, v10;
	[tilespmem:v61+s19+$0x0] =	vst.idx.add.f32.msk $0xffff, v4  }
.Ltmp1:
0x7b: {  	[tilespmem:v62+s19+$0x0] =	vst.idx.add.f32.msk $0xffff, v5;
	(pc) =	sbr.rel @p0 .LBB2_5-.Ltmp1, $4  }
0x7c: {  	[tilespmem:v10+s19+$0x0] =	vst.idx.add.f32.msk $0xffff, v3  }
0x7d: {  	[tilespmem:v1+s19+$0x0] =	vst.idx.add.f32.msk $0xffff, v7  }
0x7e: {  	[tilespmem:v2+s19+$0x0] =	vst.idx.add.f32.msk $0xffff, v8  }
0x7f: {  	s26 =	sadd.s32 $0x200, s26;
	[tilespmem:v63+s19+$0x0] =	vst.idx.add.f32.msk $0xffff, v9  }
0x80: {  	_ =	swait.ge [sflag:s20], $0x1400  }
0x81: {  	[sflag:s20] =	ssyncset.done $0x0  }
0x82: {  	p0 =	seq.s32 s24, $0xF;
	[sflag:s20] =	ssyncadd.s32 $0xFFFFEC00  }
0x83: {  	s25 =	sadd.s32 @!p0 s25, s9;
	_ =	swait.ge [sflag:s21], $0x1400  }
0x84: {  	s25 =	sshll.u32 @!p0 s25, $0x4;
	[sflag:s21] =	ssyncset.done $0x0  }
0x85: {  	s28 =	simm.s32 @!p0 $0x0;
	s26 =	sadd.s32 @!p0 s2, s25;
	[sflag:s21] =	ssyncadd.s32 $0xFFFFEC00  }
0x86: {  	[tilespmem:s28], [sflag:$0x1] =	stream.linear.gather @!p0 [hbm4b:s26+s28], $0x1400, $0x38;
	[tilespmem:$0x18A40] =	vst v63  }
0x87: {  	s25 =	sadd.s32 @!p0 s4, s25;
	s26 =	simm.s32 @!p0 $0x2800  }
0x88: {  	[tilespmem:s26], [sflag:$0x2] =	stream.linear.gather @!p0 [hbm4b:s25+s28], $0x1400, $0x38;
	[tilespmem:$0x18A40] =	vst v63  }
0x89: {  	s25 =	simm.s32 $0x0  }
.LBB2_7:
0x8a: {  	s26 =	sshra.s32 s25, $0x2  }
0x8b: {  	v1 =	vld [tilespmem:s26+$0x1400]  }
0x8c: {  	v3 =	vld [tilespmem:s26+$0x1410];
	_ =	sdelay $0x3  }
0x8d: {  	v2 =	vadd.s32 $0x2710, v1  }
0x8e: {  	v6 =	vld [tilespmem:s26+$0x3C00];
	v4 =	vadd.s32 $0x4E20, v1  }
0x8f: {  	v10 =	vld [tilespmem:s26+$0x3C10];
	v5 =	vadd.s32 $0x7530, v1  }
0x90: {  	v7 =	vadd.s32 $0x2710, v3;
	v1 =	vld.idx.msk [tilespmem:v1+s12+$0x0], $0xffff  }
0x91: {  	v8 =	vadd.s32 $0x4E20, v3;
	v9 =	vadd.s32 $0x7530, v3;
	v3 =	vld.idx.msk [tilespmem:v3+s12+$0x0], $0xffff  }
0x92: {  	v2 =	vld.idx.msk [tilespmem:v2+s12+$0x0], $0xffff  }
0x93: {  	v4 =	vld.idx.msk [tilespmem:v4+s12+$0x0], $0xffff  }
0x94: {  	v11 =	vadd.s32 $0x2780, v6;
	v5 =	vld.idx.msk [tilespmem:v5+s12+$0x0], $0xffff  }
0x95: {  	v12 =	vadd.s32 $0x4F00, v6;
	v7 =	vld.idx.msk [tilespmem:v7+s12+$0x0], $0xffff  }
0x96: {  	v13 =	vadd.s32 $0x7680, v6;
	v8 =	vld.idx.msk [tilespmem:v8+s12+$0x0], $0xffff  }
0x97: {  	v9 =	vld.idx.msk [tilespmem:v9+s12+$0x0], $0xffff  }
0x98: {  	[tilespmem:v6+s19+$0x0] =	vst.idx.add.f32.msk $0xffff, v1;
	v1 =	vadd.s32 $0x2780, v10  }
0x99: {  	[tilespmem:v11+s19+$0x0] =	vst.idx.add.f32.msk $0xffff, v2;
	v2 =	vadd.s32 $0x4F00, v10  }
0x9a: {  	v36 =	vadd.s32 $0x7680, v10;
	[tilespmem:v12+s19+$0x0] =	vst.idx.add.f32.msk $0xffff, v4  }
0x9b: {  	[tilespmem:v13+s19+$0x0] =	vst.idx.add.f32.msk $0xffff, v5  }
0x9c: {  	[tilespmem:v10+s19+$0x0] =	vst.idx.add.f32.msk $0xffff, v3  }
0x9d: {  	[tilespmem:v1+s19+$0x0] =	vst.idx.add.f32.msk $0xffff, v7  }
0x9e: {  	[tilespmem:v2+s19+$0x0] =	vst.idx.add.f32.msk $0xffff, v8  }
0x9f: {  	[tilespmem:v36+s19+$0x0] =	vst.idx.add.f32.msk $0xffff, v9  }
0xa0: {  	v1 =	vld [tilespmem:s26+$0x1420]  }
0xa1: {  	v3 =	vld [tilespmem:s26+$0x1430];
	_ =	sdelay $0x3  }
0xa2: {  	v2 =	vadd.s32 $0x2710, v1  }
0xa3: {  	v6 =	vld [tilespmem:s26+$0x3C20];
	v37 =	vadd.s32 $0x4E20, v1  }
0xa4: {  	v10 =	vld [tilespmem:s26+$0x3C30];
	v38 =	vadd.s32 $0x7530, v1  }
0xa5: {  	v39 =	vadd.s32 $0x2710, v3;
	v1 =	vld.idx.msk [tilespmem:v1+s12+$0x0], $0xffff  }
0xa6: {  	v40 =	vadd.s32 $0x4E20, v3;
	v41 =	vadd.s32 $0x7530, v3;
	v3 =	vld.idx.msk [tilespmem:v3+s12+$0x0], $0xffff  }
0xa7: {  	v2 =	vld.idx.msk [tilespmem:v2+s12+$0x0], $0xffff  }
0xa8: {  	v4 =	vld.idx.msk [tilespmem:v37+s12+$0x0], $0xffff  }
0xa9: {  	v42 =	vadd.s32 $0x2780, v6;
	v5 =	vld.idx.msk [tilespmem:v38+s12+$0x0], $0xffff  }
0xaa: {  	v43 =	vadd.s32 $0x4F00, v6;
	v7 =	vld.idx.msk [tilespmem:v39+s12+$0x0], $0xffff  }
0xab: {  	v44 =	vadd.s32 $0x7680, v6;
	v8 =	vld.idx.msk [tilespmem:v40+s12+$0x0], $0xffff  }
0xac: {  	v9 =	vld.idx.msk [tilespmem:v41+s12+$0x0], $0xffff  }
0xad: {  	[tilespmem:v6+s19+$0x0] =	vst.idx.add.f32.msk $0xffff, v1;
	v1 =	vadd.s32 $0x2780, v10  }
0xae: {  	[tilespmem:v42+s19+$0x0] =	vst.idx.add.f32.msk $0xffff, v2;
	v2 =	vadd.s32 $0x4F00, v10  }
0xaf: {  	v45 =	vadd.s32 $0x7680, v10;
	[tilespmem:v43+s19+$0x0] =	vst.idx.add.f32.msk $0xffff, v4  }
0xb0: {  	[tilespmem:v44+s19+$0x0] =	vst.idx.add.f32.msk $0xffff, v5  }
0xb1: {  	[tilespmem:v10+s19+$0x0] =	vst.idx.add.f32.msk $0xffff, v3  }
0xb2: {  	[tilespmem:v1+s19+$0x0] =	vst.idx.add.f32.msk $0xffff, v7  }
0xb3: {  	[tilespmem:v2+s19+$0x0] =	vst.idx.add.f32.msk $0xffff, v8  }
0xb4: {  	[tilespmem:v45+s19+$0x0] =	vst.idx.add.f32.msk $0xffff, v9  }
0xb5: {  	v1 =	vld [tilespmem:s26+$0x1440]  }
0xb6: {  	v3 =	vld [tilespmem:s26+$0x1450];
	_ =	sdelay $0x3  }
0xb7: {  	v2 =	vadd.s32 $0x2710, v1  }
0xb8: {  	v6 =	vld [tilespmem:s26+$0x3C40];
	v46 =	vadd.s32 $0x4E20, v1  }
0xb9: {  	v10 =	vld [tilespmem:s26+$0x3C50];
	v47 =	vadd.s32 $0x7530, v1  }
0xba: {  	v48 =	vadd.s32 $0x2710, v3;
	v1 =	vld.idx.msk [tilespmem:v1+s12+$0x0], $0xffff  }
0xbb: {  	v49 =	vadd.s32 $0x4E20, v3;
	v50 =	vadd.s32 $0x7530, v3;
	v3 =	vld.idx.msk [tilespmem:v3+s12+$0x0], $0xffff  }
0xbc: {  	v2 =	vld.idx.msk [tilespmem:v2+s12+$0x0], $0xffff  }
0xbd: {  	v4 =	vld.idx.msk [tilespmem:v46+s12+$0x0], $0xffff  }
0xbe: {  	v51 =	vadd.s32 $0x2780, v6;
	v5 =	vld.idx.msk [tilespmem:v47+s12+$0x0], $0xffff  }
0xbf: {  	v52 =	vadd.s32 $0x4F00, v6;
	v7 =	vld.idx.msk [tilespmem:v48+s12+$0x0], $0xffff  }
0xc0: {  	v53 =	vadd.s32 $0x7680, v6;
	v8 =	vld.idx.msk [tilespmem:v49+s12+$0x0], $0xffff  }
0xc1: {  	v9 =	vld.idx.msk [tilespmem:v50+s12+$0x0], $0xffff  }
0xc2: {  	[tilespmem:v6+s19+$0x0] =	vst.idx.add.f32.msk $0xffff, v1;
	v1 =	vadd.s32 $0x2780, v10  }
0xc3: {  	[tilespmem:v51+s19+$0x0] =	vst.idx.add.f32.msk $0xffff, v2;
	v2 =	vadd.s32 $0x4F00, v10  }
0xc4: {  	v54 =	vadd.s32 $0x7680, v10;
	[tilespmem:v52+s19+$0x0] =	vst.idx.add.f32.msk $0xffff, v4  }
0xc5: {  	[tilespmem:v53+s19+$0x0] =	vst.idx.add.f32.msk $0xffff, v5  }
0xc6: {  	[tilespmem:v10+s19+$0x0] =	vst.idx.add.f32.msk $0xffff, v3  }
0xc7: {  	[tilespmem:v1+s19+$0x0] =	vst.idx.add.f32.msk $0xffff, v7  }
0xc8: {  	[tilespmem:v2+s19+$0x0] =	vst.idx.add.f32.msk $0xffff, v8  }
0xc9: {  	[tilespmem:v54+s19+$0x0] =	vst.idx.add.f32.msk $0xffff, v9  }
0xca: {  	v1 =	vld [tilespmem:s26+$0x1460]  }
0xcb: {  	v3 =	vld [tilespmem:s26+$0x1470];
	_ =	sdelay $0x3  }
0xcc: {  	v2 =	vadd.s32 $0x2710, v1  }
0xcd: {  	v6 =	vld [tilespmem:s26+$0x3C60];
	v55 =	vadd.s32 $0x4E20, v1  }
0xce: {  	v10 =	vld [tilespmem:s26+$0x3C70];
	v56 =	vadd.s32 $0x7530, v1  }
0xcf: {  	v57 =	vadd.s32 $0x2710, v3;
	v1 =	vld.idx.msk [tilespmem:v1+s12+$0x0], $0xffff  }
0xd0: {  	v58 =	vadd.s32 $0x4E20, v3;
	v59 =	vadd.s32 $0x7530, v3;
	v3 =	vld.idx.msk [tilespmem:v3+s12+$0x0], $0xffff  }
0xd1: {  	v2 =	vld.idx.msk [tilespmem:v2+s12+$0x0], $0xffff  }
0xd2: {  	v4 =	vld.idx.msk [tilespmem:v55+s12+$0x0], $0xffff  }
0xd3: {  	v60 =	vadd.s32 $0x2780, v6;
	v5 =	vld.idx.msk [tilespmem:v56+s12+$0x0], $0xffff  }
0xd4: {  	v61 =	vadd.s32 $0x4F00, v6;
	v7 =	vld.idx.msk [tilespmem:v57+s12+$0x0], $0xffff  }
0xd5: {  	v62 =	vadd.s32 $0x7680, v6;
	v8 =	vld.idx.msk [tilespmem:v58+s12+$0x0], $0xffff  }
0xd6: {  	v9 =	vld.idx.msk [tilespmem:v59+s12+$0x0], $0xffff  }
0xd7: {  	[tilespmem:v6+s19+$0x0] =	vst.idx.add.f32.msk $0xffff, v1;
	v1 =	vadd.s32 $0x2780, v10  }
0xd8: {  	[tilespmem:v60+s19+$0x0] =	vst.idx.add.f32.msk $0xffff, v2;
	v2 =	vadd.s32 $0x4F00, v10  }
0xd9: {  	p0 =	sne.s32 s25, $0x4E00;
	v63 =	vadd.s32 $0x7680, v10;
	[tilespmem:v61+s19+$0x0] =	vst.idx.add.f32.msk $0xffff, v4  }
.Ltmp2:
0xda: {  	[tilespmem:v62+s19+$0x0] =	vst.idx.add.f32.msk $0xffff, v5;
	(pc) =	sbr.rel @p0 .LBB2_7-.Ltmp2, $4  }
0xdb: {  	[tilespmem:v10+s19+$0x0] =	vst.idx.add.f32.msk $0xffff, v3  }
0xdc: {  	[tilespmem:v1+s19+$0x0] =	vst.idx.add.f32.msk $0xffff, v7  }
0xdd: {  	[tilespmem:v2+s19+$0x0] =	vst.idx.add.f32.msk $0xffff, v8  }
0xde: {  	s25 =	sadd.s32 $0x200, s25;
	[tilespmem:v63+s19+$0x0] =	vst.idx.add.f32.msk $0xffff, v9  }
0xdf: {  	s24 =	sadd.s32 $0x1, s24  }
0xe0: {  	p0 =	sne.s32 s24, $0x10  }
.Ltmp3:
0xe1: {  	_ = 	snop;
	(pc) =	sbr.rel @p0 .LBB2_4-.Ltmp3, $1  }
0xe2: {  	_ =	sdelay $0x3  }
0xe3: {  	s22 =	sadd.s32 $0x1, s22  }
0xe4: {  	p0 =	sne.s32 s22, s11  }
.Ltmp4:
0xe5: {  	_ = 	snop;
	(pc) =	sbr.rel @p0 .LBB2_1-.Ltmp4, $4  }
0xe6: {  	[hbm4b:s10+s3] =	stream.linear.scatter [tilespmem:s19], [sflag:$0x5], $0x9E00, $0x38;
	[tilespmem:$0x18A40] =	vst v63  }
0xe7: {  	_ =	swait.ge [sflag:s13], $0x9E00  }
0xe8: {  	[sflag:s13] =	ssyncset.done $0x0  }
0xe9: {  	[sflag:s13] =	ssyncadd.s32 $0xFFFF6200  }
0xea: {  	_ =	sfence.sel $0x180000  }
0xeb: {  	[bflag:$0x0] =	sbarrier.arrive $0xFFFF  }
0xec: {  	p0 =	sne.s32 s0, $0x0;
	_ =	strace $0x90000047  }
0xed: {  	s0 =	sadd.s32 @!p0 $0x100000, s1;
	[bflag:$0x2] =	sbarrier.arrive $0xFFFF  }
0xee: {  	[sflag:s0] =	ssyncadd.tile.s32 @!p0 $0x1;
	_ =	shalt  }
.Lfunc_end2:
_tile_overlayer_lowered:
.L_overlay_start_2:
0xef: {  	(tag) =	ssettag $0x2  }
0xf0: {  	s0 =	rddreg [dreg:$0x0];
	s2 =	stileid.u32  }
0xf1: {  	s1 =	rddreg [dreg:$0x1];
	p0 =	sne.s32 s2, $0x0  }
0xf2: {  	s3 =	rddreg [dreg:$0x2];
	[bflag:$0x3] =	sbarrier.arrive $0xFFFF;
	s2 =	simm.s32 @!p0 $0x1C05  }
0xf3: {  	[timem:s3], [sflag:s2] =	dma.local @!p0 [hbm:s0], s1  }
0xf4: {  	s0 =	simm.s32 @!p0 $0x5  }
0xf5: {  	_ =	swait.ge @!p0 [sflag:s0], s1  }
0xf6: {  	s1 =	ssub.s32 @!p0 $0x0, s1;
	[sflag:s0] =	ssyncset.done @!p0 $0x0  }
0xf7: {  	[sflag:s0] =	ssyncadd.s32 @!p0 s1  }
0xf8: {  	[bflag:$0x3] =	sbarrier.arrive $0xFFFF  }
0xf9: {  	_ =	shalt  }

</sc_bundles>
